<compile_context>
chip_gen: v7x
topology: tpu7x:2x2x1
jax: 0.10.2.dev20260603
libtpu: 0.0.44.dev20260713+nightly
codegen_flags: <defaults>
</compile_context>

<pallas_src>
import jax
import jax.numpy as jnp
from jax import lax
from jax.experimental import pallas as pl
from jax.experimental.pallas import tpu as pltpu
from jax.experimental.pallas import tpu_sc as plsc

N = 32768
M = 16
D0 = 128
D1 = 256

BLK = 8192
NB = N // BLK
ROWS = BLK // 128

NSC = 16
CH = N // NSC
L = 16


def _tc_body(f0, f1, w0, w1, b, p_out, e_out, gmax_out, mscr):
    i = pl.program_id(0)
    dn = (((0,), (1,)), ((), ()))
    acc = lax.dot_general(w0[...], f0[...], dn,
                          preferred_element_type=jnp.float32)
    acc = acc + lax.dot_general(w1[...], f1[...], dn,
                                preferred_element_type=jnp.float32)
    e = acc[0:1, :] + b[0:1, 0:1]
    p = acc[1:2, :]
    p_out[...] = p.reshape(1, 1, BLK)
    e_out[...] = e.reshape(1, 1, BLK)
    bm = jnp.max(p)

    @pl.when(i == 0)
    def _init():
        mscr[...] = jnp.full((1, 128), -jnp.inf, jnp.float32)

    mscr[...] = jnp.maximum(mscr[...], bm)

    @pl.when(i == NB - 1)
    def _fin():
        gmax_out[...] = mscr[...]


def _tc_pass1(feat0, feat1, w0, w1, bvec):
    return pl.pallas_call(
        _tc_body,
        grid=(NB,),
        in_specs=[
            pl.BlockSpec((BLK, D0), lambda i: (i, 0)),
            pl.BlockSpec((BLK, D1), lambda i: (i, 0)),
            pl.BlockSpec((D0, 2), lambda i: (0, 0)),
            pl.BlockSpec((D1, 2), lambda i: (0, 0)),
            pl.BlockSpec((8, 128), lambda i: (0, 0)),
        ],
        out_specs=[
            pl.BlockSpec((1, 1, BLK), lambda i: (i, 0, 0)),
            pl.BlockSpec((1, 1, BLK), lambda i: (i, 0, 0)),
            pl.BlockSpec((1, 128), lambda i: (0, 0)),
        ],
        out_shape=[
            jax.ShapeDtypeStruct((NB, 1, BLK), jnp.float32),
            jax.ShapeDtypeStruct((NB, 1, BLK), jnp.float32),
            jax.ShapeDtypeStruct((1, 128), jnp.float32),
        ],
        scratch_shapes=[pltpu.VMEM((1, 128), jnp.float32)],
    )(feat0, feat1, w0, w1, bvec)


def _sc_body(p_hbm, e_hbm, mol_hbm, gmax_hbm,
             prob_hbm, ae_hbm, contrib_hbm, parts_hbm,
             p_v, e_v, mol_v, rel_v, prob_v, ae_v,
             gmax_v, acc_v, invz_v, red_v, out16_v, sem):
    sid = lax.axis_index("s")
    base = sid * CH

    c1 = pltpu.async_copy(p_hbm.at[pl.ds(base, CH)], p_v, sem)
    c2 = pltpu.async_copy(e_hbm.at[pl.ds(base, CH)], e_v, sem)
    c3 = pltpu.async_copy(mol_hbm.at[pl.ds(base, CH)], mol_v, sem)
    c4 = pltpu.async_copy(gmax_hbm.at[pl.ds(0, L)], gmax_v, sem)
    c1.wait()
    c2.wait()
    c3.wait()
    c4.wait()

    gmax = gmax_v[...]
    z16 = jnp.zeros((L,), jnp.float32)
    for bk in range(4):
        acc_v[pl.ds(bk * 2 * L, L)] = z16
        acc_v[pl.ds(bk * 2 * L + L, L)] = z16

    @plsc.parallel_loop(0, CH // L, unroll=4)
    def body_a(c):
        s = pl.ds(c * L, L)
        off = (c % 4) * 2 * M
        mol16 = mol_v[s] + off
        rel = jnp.exp(p_v[s] - gmax)
        rel_v[s] = rel
        plsc.addupdate_scatter(acc_v, [mol16], rel)
        plsc.addupdate_scatter(acc_v, [mol16 + M], rel * e_v[s])

    zsum = ((acc_v[pl.ds(0, L)] + acc_v[pl.ds(2 * L, L)])
            + (acc_v[pl.ds(4 * L, L)] + acc_v[pl.ds(6 * L, L)]))
    wsum = ((acc_v[pl.ds(L, L)] + acc_v[pl.ds(3 * L, L)])
            + (acc_v[pl.ds(5 * L, L)] + acc_v[pl.ds(7 * L, L)]))
    acc_v[pl.ds(0, L)] = zsum
    acc_v[pl.ds(L, L)] = wsum
    pltpu.sync_copy(acc_v.at[pl.ds(0, 2 * M)],
                    parts_hbm.at[pl.ds(sid * 2 * M, 2 * M)])
    plsc.subcore_barrier()
    pltpu.sync_copy(parts_hbm, red_v)

    def red_zw(j, zw):
        z, w = zw
        return (z + red_v[pl.ds(j * 2 * M, M)],
                w + red_v[pl.ds(j * 2 * M + M, M)])

    ztot, wtot = lax.fori_loop(
        0, NSC, red_zw,
        (jnp.zeros((L,), jnp.float32), jnp.zeros((L,), jnp.float32)))
    invz_v[...] = 1.0 / ztot

    @pl.when(sid == 0)
    def _final():
        out16_v[...] = jnp.where(ztot > 0.0, wtot / ztot, 0.0)
        pltpu.sync_copy(out16_v, contrib_hbm)

    @plsc.parallel_loop(0, CH // L, unroll=4)
    def body_b(c):
        s = pl.ds(c * L, L)
        mol16 = mol_v[s]
        izg = plsc.load_gather(invz_v, [mol16])
        prob = rel_v[s] * izg
        prob_v[s] = prob
        ae_v[s] = prob * e_v[s]

    pltpu.sync_copy(prob_v, prob_hbm.at[pl.ds(base, CH)])
    pltpu.sync_copy(ae_v, ae_hbm.at[pl.ds(base, CH)])


def _sc_pass2(p_flat, e_flat, mol_index, gmax_flat):
    mesh = plsc.VectorSubcoreMesh(core_axis_name="c", subcore_axis_name="s",
                                  num_cores=1)
    fn = pl.kernel(
        _sc_body,
        out_type=[
            jax.ShapeDtypeStruct((N,), jnp.float32),
            jax.ShapeDtypeStruct((N,), jnp.float32),
            jax.ShapeDtypeStruct((M,), jnp.float32),
            jax.ShapeDtypeStruct((NSC * 2 * M,), jnp.float32),
        ],
        mesh=mesh,
        compiler_params=pltpu.CompilerParams(needs_layout_passes=False),
        scratch_types=[
            pltpu.VMEM((CH,), jnp.float32),
            pltpu.VMEM((CH,), jnp.float32),
            pltpu.VMEM((CH,), jnp.int32),
            pltpu.VMEM((CH,), jnp.float32),
            pltpu.VMEM((CH,), jnp.float32),
            pltpu.VMEM((CH,), jnp.float32),
            pltpu.VMEM((L,), jnp.float32),
            pltpu.VMEM((8 * L,), jnp.float32),
            pltpu.VMEM((L,), jnp.float32),
            pltpu.VMEM((NSC * 2 * M,), jnp.float32),
            pltpu.VMEM((L,), jnp.float32),
            pltpu.SemaphoreType.DMA,
        ],
    )
    return fn(p_flat, e_flat, mol_index, gmax_flat)


def kernel(feat0, feat1, W_e0, W_e1, b_e1, W_p0, W_p1, mol_index, atom_index,
           n_molecules, n_atoms_max):
    w0 = jnp.concatenate([W_e0, W_p0], axis=1)
    w1 = jnp.concatenate([W_e1, W_p1], axis=1)
    bvec = jnp.broadcast_to(b_e1.reshape(1, 1), (8, 128))
    p2d, e2d, gmax2d = _tc_pass1(feat0, feat1, w0, w1, bvec)
    p_flat = p2d.reshape(N)
    e_flat = e2d.reshape(N)
    gmax_flat = gmax2d.reshape(128)
    prob_f, ae_f, contrib, _zw = _sc_pass2(p_flat, e_flat, mol_index,
                                           gmax_flat)
    return (contrib.reshape(M, 1),
            ae_f.reshape(N, 1),
            e_flat.reshape(N, 1),
            prob_f.reshape(N, 1),
            p_flat.reshape(N, 1))

# --- scband reference (transcript-rebuilt; emitter-appended) ---
"""Pipeline reference for scband-local-energy-8761733284010 (READ-ONLY COPY).

The authoritative reference and input builder live on the scoring server;
editing this copy changes nothing except your own understanding.
"""

import jax, jax.numpy as jnp
import numpy as np

N = 32768
M = 16
A = 32768
D0 = 128
D1 = 256

def setup_inputs(seed: int = 0):
    key = jax.random.key(seed)
    ks = jax.random.split(key, 8)
    feat0 = jax.random.normal(ks[0], (N, D0), dtype=jnp.float32)
    feat1 = jax.random.normal(ks[1], (N, D1), dtype=jnp.float32)
    mol_index = jnp.sort(jax.random.randint(ks[2], (N,), 0, M, dtype=jnp.int32))
    atom_index = jnp.arange(N, dtype=jnp.int32)
    lim0 = 1.0 / np.sqrt(D0)
    lim1 = 1.0 / np.sqrt(D1)
    W_e0 = jax.random.uniform(ks[3], (D0, 1), jnp.float32, -lim0, lim0)
    W_e1 = jax.random.uniform(ks[4], (D1, 1), jnp.float32, -lim1, lim1)
    b_e1 = jax.random.uniform(ks[5], (1,), jnp.float32, -lim1, lim1)
    W_p0 = jax.random.uniform(ks[6], (D0, 1), jnp.float32, -lim0, lim0)
    W_p1 = jax.random.uniform(ks[7], (D1, 1), jnp.float32, -lim1, lim1)
    return {"feat0": feat0, "feat1": feat1, "W_e0": W_e0, "W_e1": W_e1, "b_e1": b_e1,
            "W_p0": W_p0, "W_p1": W_p1, "mol_index": mol_index, "atom_index": atom_index,
            "n_molecules": M, "n_atoms_max": A}

def reference(feat0, feat1, W_e0, W_e1, b_e1, W_p0, W_p1, mol_index, atom_index, n_molecules, n_atoms_max):
    # layers: Linear(D0,1,bias=False) (since first_is_interacting=False), Linear(D1,1,bias=True)
    atom_preenergy = feat0 @ W_e0 + (feat1 @ W_e1 + b_e1)
    # players: Linear(D0,1,bias=False), Linear(D1,1,bias=False)
    propensity = feat0 @ W_p0 + feat1 @ W_p1
    dep_zero = (jnp.asarray(n_molecules) - M).astype(jnp.int32) + (jnp.asarray(n_atoms_max) - A).astype(jnp.int32)
    mol_index = mol_index + dep_zero
    # no_grad block: per-molecule max of propensity via scatter into [M, A, 1] of -inf
    pm = jnp.full((M, A, 1), -jnp.inf, dtype=feat0.dtype)
    pm = pm.at[mol_index, atom_index].set(jax.lax.stop_gradient(propensity))
    propensity_norms = jnp.max(pm, axis=1)  # [M, 1]
    propensity_norm_atoms = jax.lax.stop_gradient(propensity_norms[mol_index])  # [N, 1]
    propensity_normed = propensity - propensity_norm_atoms
    relative_prob = jnp.exp(propensity_normed)
    # MolSummer: segment sum over molecules
    z_factor_permol = jax.ops.segment_sum(relative_prob, mol_index, num_segments=M)
    atom_zfactor = z_factor_permol[mol_index]
    prob = relative_prob / atom_zfactor
    atom_energy = prob * atom_preenergy
    contributed_energy = jax.ops.segment_sum(atom_energy, mol_index, num_segments=M)
    return (contributed_energy, atom_energy, atom_preenergy, prob, propensity)

if __name__ == "__main__":
    import jax
    _d = setup_inputs()
    print(jax.jit(kernel)(*tuple(_d.values())))

</pallas_src>

<mosaic_0001>
#map = affine_map<(d0, d1) -> (0)>
module attributes {stable_mosaic.version = 14 : i64} {
  func.func @_sc_body(%arg0: i32, %arg1: i32, %arg2: memref<32768xf32, #tpu.memory_space<hbm>>, %arg3: memref<32768xf32, #tpu.memory_space<hbm>>, %arg4: memref<32768xi32, #tpu.memory_space<hbm>>, %arg5: memref<128xf32, #tpu.memory_space<hbm>>, %arg6: memref<32768xf32, #tpu.memory_space<hbm>>, %arg7: memref<32768xf32, #tpu.memory_space<hbm>>, %arg8: memref<16xf32, #tpu.memory_space<hbm>>, %arg9: memref<512xf32, #tpu.memory_space<hbm>>, %arg10: memref<2048xf32, #tpu.memory_space<vmem>>, %arg11: memref<2048xf32, #tpu.memory_space<vmem>>, %arg12: memref<2048xi32, #tpu.memory_space<vmem>>, %arg13: memref<2048xf32, #tpu.memory_space<vmem>>, %arg14: memref<2048xf32, #tpu.memory_space<vmem>>, %arg15: memref<2048xf32, #tpu.memory_space<vmem>>, %arg16: memref<16xf32, #tpu.memory_space<vmem>>, %arg17: memref<128xf32, #tpu.memory_space<vmem>>, %arg18: memref<16xf32, #tpu.memory_space<vmem>>, %arg19: memref<512xf32, #tpu.memory_space<vmem>>, %arg20: memref<16xf32, #tpu.memory_space<vmem>>, %arg21: memref<!tpu.dma_semaphore, #tpu.memory_space<semaphore_mem>>) attributes {dimension_semantics = [#tpu.dimension_semantics<core_parallel>, #tpu.dimension_semantics<subcore_parallel>], iteration_bounds = array<i64: 1, 16>, scalar_prefetch = 0 : i64, scratch_operands = 12 : i64, tpu.core_type = #tpu.core_type<sc_vector_subcore>, window_params = [{transform_indices = #map}, {transform_indices = #map}, {transform_indices = #map}, {transform_indices = #map}, {transform_indices = #map}, {transform_indices = #map}, {transform_indices = #map}, {transform_indices = #map}]} {
    %mul3A = arith.constant 2048 : i32
    %mul3A_0 = arith.muli %arg1, %mul3A : i32
    %dma_start3A = tpu.memref_slice %arg2[%mul3A_0] : memref<32768xf32, #tpu.memory_space<hbm>> -> memref<2048xf32, #tpu.memory_space<hbm>>
    %dma_start3A_1 = tpu.memref_slice %arg2[%mul3A_0] : memref<32768xf32, #tpu.memory_space<hbm>> -> memref<2048xf32, #tpu.memory_space<hbm>>
    tpu.enqueue_dma source(%dma_start3A_1 : memref<2048xf32, #tpu.memory_space<hbm>>) target(%arg10 : memref<2048xf32, #tpu.memory_space<vmem>>) target_semaphore(%arg21 : memref<!tpu.dma_semaphore, #tpu.memory_space<semaphore_mem>>)
    %dma_start3A_2 = tpu.memref_slice %arg3[%mul3A_0] : memref<32768xf32, #tpu.memory_space<hbm>> -> memref<2048xf32, #tpu.memory_space<hbm>>
    %dma_start3A_3 = tpu.memref_slice %arg3[%mul3A_0] : memref<32768xf32, #tpu.memory_space<hbm>> -> memref<2048xf32, #tpu.memory_space<hbm>>
    tpu.enqueue_dma source(%dma_start3A_3 : memref<2048xf32, #tpu.memory_space<hbm>>) target(%arg11 : memref<2048xf32, #tpu.memory_space<vmem>>) target_semaphore(%arg21 : memref<!tpu.dma_semaphore, #tpu.memory_space<semaphore_mem>>)
    %dma_start3A_4 = tpu.memref_slice %arg4[%mul3A_0] : memref<32768xi32, #tpu.memory_space<hbm>> -> memref<2048xi32, #tpu.memory_space<hbm>>
    %dma_start3A_5 = tpu.memref_slice %arg4[%mul3A_0] : memref<32768xi32, #tpu.memory_space<hbm>> -> memref<2048xi32, #tpu.memory_space<hbm>>
    tpu.enqueue_dma source(%dma_start3A_5 : memref<2048xi32, #tpu.memory_space<hbm>>) target(%arg12 : memref<2048xi32, #tpu.memory_space<vmem>>) target_semaphore(%arg21 : memref<!tpu.dma_semaphore, #tpu.memory_space<semaphore_mem>>)
    %dma_start3A_6 = arith.constant 0 : i32
    %dma_start3A_7 = tpu.memref_slice %arg5[%dma_start3A_6] : memref<128xf32, #tpu.memory_space<hbm>> -> memref<16xf32, #tpu.memory_space<hbm>>
    %dma_start3A_8 = arith.constant 0 : i32
    %dma_start3A_9 = tpu.memref_slice %arg5[%dma_start3A_8] : memref<128xf32, #tpu.memory_space<hbm>> -> memref<16xf32, #tpu.memory_space<hbm>>
    tpu.enqueue_dma source(%dma_start3A_9 : memref<16xf32, #tpu.memory_space<hbm>>) target(%arg16 : memref<16xf32, #tpu.memory_space<vmem>>) target_semaphore(%arg21 : memref<!tpu.dma_semaphore, #tpu.memory_space<semaphore_mem>>)
    %dma_wait3A = tpu.memref_slice %arg2[%mul3A_0] : memref<32768xf32, #tpu.memory_space<hbm>> -> memref<2048xf32, #tpu.memory_space<hbm>>
    %dma_wait3A_10 = tpu.memref_slice %arg2[%mul3A_0] : memref<32768xf32, #tpu.memory_space<hbm>> -> memref<2048xf32, #tpu.memory_space<hbm>>
    tpu.wait_dma2 semaphore(%arg21 : memref<!tpu.dma_semaphore, #tpu.memory_space<semaphore_mem>>) src(%dma_wait3A_10 : memref<2048xf32, #tpu.memory_space<hbm>>) dst(%arg10 : memref<2048xf32, #tpu.memory_space<vmem>>)
    %dma_wait3A_11 = tpu.memref_slice %arg3[%mul3A_0] : memref<32768xf32, #tpu.memory_space<hbm>> -> memref<2048xf32, #tpu.memory_space<hbm>>
    %dma_wait3A_12 = tpu.memref_slice %arg3[%mul3A_0] : memref<32768xf32, #tpu.memory_space<hbm>> -> memref<2048xf32, #tpu.memory_space<hbm>>
    tpu.wait_dma2 semaphore(%arg21 : memref<!tpu.dma_semaphore, #tpu.memory_space<semaphore_mem>>) src(%dma_wait3A_12 : memref<2048xf32, #tpu.memory_space<hbm>>) dst(%arg11 : memref<2048xf32, #tpu.memory_space<vmem>>)
    %dma_wait3A_13 = tpu.memref_slice %arg4[%mul3A_0] : memref<32768xi32, #tpu.memory_space<hbm>> -> memref<2048xi32, #tpu.memory_space<hbm>>
    %dma_wait3A_14 = tpu.memref_slice %arg4[%mul3A_0] : memref<32768xi32, #tpu.memory_space<hbm>> -> memref<2048xi32, #tpu.memory_space<hbm>>
    tpu.wait_dma2 semaphore(%arg21 : memref<!tpu.dma_semaphore, #tpu.memory_space<semaphore_mem>>) src(%dma_wait3A_14 : memref<2048xi32, #tpu.memory_space<hbm>>) dst(%arg12 : memref<2048xi32, #tpu.memory_space<vmem>>)
    %dma_wait3A_15 = arith.constant 0 : i32
    %dma_wait3A_16 = tpu.memref_slice %arg5[%dma_wait3A_15] : memref<128xf32, #tpu.memory_space<hbm>> -> memref<16xf32, #tpu.memory_space<hbm>>
    %dma_wait3A_17 = arith.constant 0 : i32
    %dma_wait3A_18 = tpu.memref_slice %arg5[%dma_wait3A_17] : memref<128xf32, #tpu.memory_space<hbm>> -> memref<16xf32, #tpu.memory_space<hbm>>
    tpu.wait_dma2 semaphore(%arg21 : memref<!tpu.dma_semaphore, #tpu.memory_space<semaphore_mem>>) src(%dma_wait3A_18 : memref<16xf32, #tpu.memory_space<hbm>>) dst(%arg16 : memref<16xf32, #tpu.memory_space<vmem>>)
    %get3A = arith.constant 0 : index
    %get3A_19 = tpu.vector_load %arg16[%get3A] {strides = array<i32>} : memref<16xf32, #tpu.memory_space<vmem>>, vector<16xf32>,
    %broadcast_in_dim3A = arith.constant 0.000000e+00 : f32
    %broadcast_in_dim3A_20 = vector.broadcast %broadcast_in_dim3A : f32 to vector<16xf32>
    %swap3A = arith.constant 0 : index
    %swap3A_21 = tpu.vector_load %arg17[%swap3A] {strides = array<i32>} : memref<128xf32, #tpu.memory_space<vmem>>, vector<16xf32>,
    tpu.vector_store %arg17[%swap3A], %broadcast_in_dim3A_20 {strides = array<i32>} : memref<128xf32, #tpu.memory_space<vmem>>, vector<16xf32>,
    %swap3A_22 = arith.constant 16 : index
    %swap3A_23 = tpu.vector_load %arg17[%swap3A_22] {strides = array<i32>} : memref<128xf32, #tpu.memory_space<vmem>>, vector<16xf32>,
    tpu.vector_store %arg17[%swap3A_22], %broadcast_in_dim3A_20 {strides = array<i32>} : memref<128xf32, #tpu.memory_space<vmem>>, vector<16xf32>,
    %swap3A_24 = arith.constant 32 : index
    %swap3A_25 = tpu.vector_load %arg17[%swap3A_24] {strides = array<i32>} : memref<128xf32, #tpu.memory_space<vmem>>, vector<16xf32>,
    tpu.vector_store %arg17[%swap3A_24], %broadcast_in_dim3A_20 {strides = array<i32>} : memref<128xf32, #tpu.memory_space<vmem>>, vector<16xf32>,
    %swap3A_26 = arith.constant 48 : index
    %swap3A_27 = tpu.vector_load %arg17[%swap3A_26] {strides = array<i32>} : memref<128xf32, #tpu.memory_space<vmem>>, vector<16xf32>,
    tpu.vector_store %arg17[%swap3A_26], %broadcast_in_dim3A_20 {strides = array<i32>} : memref<128xf32, #tpu.memory_space<vmem>>, vector<16xf32>,
    %swap3A_28 = arith.constant 64 : index
    %swap3A_29 = tpu.vector_load %arg17[%swap3A_28] {strides = array<i32>} : memref<128xf32, #tpu.memory_space<vmem>>, vector<16xf32>,
    tpu.vector_store %arg17[%swap3A_28], %broadcast_in_dim3A_20 {strides = array<i32>} : memref<128xf32, #tpu.memory_space<vmem>>, vector<16xf32>,
    %swap3A_30 = arith.constant 80 : index
    %swap3A_31 = tpu.vector_load %arg17[%swap3A_30] {strides = array<i32>} : memref<128xf32, #tpu.memory_space<vmem>>, vector<16xf32>,
    tpu.vector_store %arg17[%swap3A_30], %broadcast_in_dim3A_20 {strides = array<i32>} : memref<128xf32, #tpu.memory_space<vmem>>, vector<16xf32>,
    %swap3A_32 = arith.constant 96 : index
    %swap3A_33 = tpu.vector_load %arg17[%swap3A_32] {strides = array<i32>} : memref<128xf32, #tpu.memory_space<vmem>>, vector<16xf32>,
    tpu.vector_store %arg17[%swap3A_32], %broadcast_in_dim3A_20 {strides = array<i32>} : memref<128xf32, #tpu.memory_space<vmem>>, vector<16xf32>,
    %swap3A_34 = arith.constant 112 : index
    %swap3A_35 = tpu.vector_load %arg17[%swap3A_34] {strides = array<i32>} : memref<128xf32, #tpu.memory_space<vmem>>, vector<16xf32>,
    tpu.vector_store %arg17[%swap3A_34], %broadcast_in_dim3A_20 {strides = array<i32>} : memref<128xf32, #tpu.memory_space<vmem>>, vector<16xf32>,
    %parallel_loop3A = arith.constant 0 : i32
    %parallel_loop3A_36 = arith.constant 128 : i32
    %parallel_loop3A_37 = arith.constant 1 : i32
    scf.for %parallel_loop3A_85 = %parallel_loop3A to %parallel_loop3A_36 step %parallel_loop3A_37  : i32 {
      %parallel_loop3A_86 = arith.constant 16 : i32
      %parallel_loop3A_87 = arith.muli %parallel_loop3A_85, %parallel_loop3A_86 : i32
      %parallel_loop3A_88 = arith.constant 4 : i32
      %parallel_loop3A_89 = arith.constant 0 : i32
      %parallel_loop3A_90 = arith.cmpi eq, %parallel_loop3A_88, %parallel_loop3A_89 : i32
      %parallel_loop3A_91 = arith.constant 1 : i32
      %parallel_loop3A_92 = arith.select %parallel_loop3A_90, %parallel_loop3A_91, %parallel_loop3A_88 : i32
      %parallel_loop3A_93 = arith.remsi %parallel_loop3A_85, %parallel_loop3A_92 : i32
      %parallel_loop3A_94 = arith.constant 0 : i32
      %parallel_loop3A_95 = arith.cmpi ne, %parallel_loop3A_93, %parallel_loop3A_94 : i32
      %parallel_loop3A_96 = arith.constant 0 : i32
      %parallel_loop3A_97 = arith.cmpi slt, %parallel_loop3A_93, %parallel_loop3A_96 : i32
      %parallel_loop3A_98 = arith.constant 0 : i32
      %parallel_loop3A_99 = arith.cmpi slt, %parallel_loop3A_92, %parallel_loop3A_98 : i32
      %parallel_loop3A_100 = arith.xori %parallel_loop3A_97, %parallel_loop3A_99 : i1
      %parallel_loop3A_101 = arith.andi %parallel_loop3A_100, %parallel_loop3A_95 : i1
      %parallel_loop3A_102 = arith.addi %parallel_loop3A_93, %parallel_loop3A_92 : i32
      %parallel_loop3A_103 = arith.select %parallel_loop3A_101, %parallel_loop3A_102, %parallel_loop3A_93 : i32
      %parallel_loop3A_104 = arith.constant 2 : i32
      %parallel_loop3A_105 = arith.muli %parallel_loop3A_103, %parallel_loop3A_104 : i32
      %parallel_loop3A_106 = arith.constant 16 : i32
      %parallel_loop3A_107 = arith.muli %parallel_loop3A_105, %parallel_loop3A_106 : i32
      %parallel_loop3A_108 = arith.index_cast %parallel_loop3A_87 : i32 to index
      %parallel_loop3A_109 = tpu.vector_load %arg12[%parallel_loop3A_108] {strides = array<i32>} : memref<2048xi32, #tpu.memory_space<vmem>>, vector<16xi32>,
      %parallel_loop3A_110 = vector.broadcast %parallel_loop3A_107 : i32 to vector<16xi32>
      %parallel_loop3A_111 = arith.addi %parallel_loop3A_109, %parallel_loop3A_110 : vector<16xi32>
      %parallel_loop3A_112 = arith.index_cast %parallel_loop3A_87 : i32 to index
      %parallel_loop3A_113 = tpu.vector_load %arg10[%parallel_loop3A_112] {strides = array<i32>} : memref<2048xf32, #tpu.memory_space<vmem>>, vector<16xf32>,
      %parallel_loop3A_114 = arith.subf %parallel_loop3A_113, %get3A_19 : vector<16xf32>
      %parallel_loop3A_115 = math.exp %parallel_loop3A_114 : vector<16xf32>
      %parallel_loop3A_116 = arith.index_cast %parallel_loop3A_87 : i32 to index
      %parallel_loop3A_117 = tpu.vector_load %arg13[%parallel_loop3A_116] {strides = array<i32>} : memref<2048xf32, #tpu.memory_space<vmem>>, vector<16xf32>,
      tpu.vector_store %arg13[%parallel_loop3A_116], %parallel_loop3A_115 {strides = array<i32>} : memref<2048xf32, #tpu.memory_space<vmem>>, vector<16xf32>,
      tpu.vector_store_idx %arg17[%parallel_loop3A_111], %parallel_loop3A_115 {add = true} : memref<128xf32, #tpu.memory_space<vmem>>[vector<16xi32>], vector<16xf32>,
      %parallel_loop3A_118 = arith.constant 16 : i32
      %parallel_loop3A_119 = vector.broadcast %parallel_loop3A_118 : i32 to vector<16xi32>
      %parallel_loop3A_120 = arith.addi %parallel_loop3A_111, %parallel_loop3A_119 : vector<16xi32>
      %parallel_loop3A_121 = arith.index_cast %parallel_loop3A_87 : i32 to index
      %parallel_loop3A_122 = tpu.vector_load %arg11[%parallel_loop3A_121] {strides = array<i32>} : memref<2048xf32, #tpu.memory_space<vmem>>, vector<16xf32>,
      %parallel_loop3A_123 = arith.mulf %parallel_loop3A_115, %parallel_loop3A_122 : vector<16xf32>
      tpu.vector_store_idx %arg17[%parallel_loop3A_120], %parallel_loop3A_123 {add = true} : memref<128xf32, #tpu.memory_space<vmem>>[vector<16xi32>], vector<16xf32>,
    } {sc.loop_unroll_factor = 4 : i64, sc.parallel_access}
    %get3A_38 = arith.constant 0 : index
    %get3A_39 = tpu.vector_load %arg17[%get3A_38] {strides = array<i32>} : memref<128xf32, #tpu.memory_space<vmem>>, vector<16xf32>,
    %get3A_40 = arith.constant 32 : index
    %get3A_41 = tpu.vector_load %arg17[%get3A_40] {strides = array<i32>} : memref<128xf32, #tpu.memory_space<vmem>>, vector<16xf32>,
    %add3A = arith.addf %get3A_39, %get3A_41 : vector<16xf32>
    %get3A_42 = arith.constant 64 : index
    %get3A_43 = tpu.vector_load %arg17[%get3A_42] {strides = array<i32>} : memref<128xf32, #tpu.memory_space<vmem>>, vector<16xf32>,
    %get3A_44 = arith.constant 96 : index
    %get3A_45 = tpu.vector_load %arg17[%get3A_44] {strides = array<i32>} : memref<128xf32, #tpu.memory_space<vmem>>, vector<16xf32>,
    %add3A_46 = arith.addf %get3A_43, %get3A_45 : vector<16xf32>
    %add3A_47 = arith.addf %add3A, %add3A_46 : vector<16xf32>
    %get3A_48 = arith.constant 16 : index
    %get3A_49 = tpu.vector_load %arg17[%get3A_48] {strides = array<i32>} : memref<128xf32, #tpu.memory_space<vmem>>, vector<16xf32>,
    %get3A_50 = arith.constant 48 : index
    %get3A_51 = tpu.vector_load %arg17[%get3A_50] {strides = array<i32>} : memref<128xf32, #tpu.memory_space<vmem>>, vector<16xf32>,
    %add3A_52 = arith.addf %get3A_49, %get3A_51 : vector<16xf32>
    %get3A_53 = arith.constant 80 : index
    %get3A_54 = tpu.vector_load %arg17[%get3A_53] {strides = array<i32>} : memref<128xf32, #tpu.memory_space<vmem>>, vector<16xf32>,
    %get3A_55 = arith.constant 112 : index
    %get3A_56 = tpu.vector_load %arg17[%get3A_55] {strides = array<i32>} : memref<128xf32, #tpu.memory_space<vmem>>, vector<16xf32>,
    %add3A_57 = arith.addf %get3A_54, %get3A_56 : vector<16xf32>
    %add3A_58 = arith.addf %add3A_52, %add3A_57 : vector<16xf32>
    %swap3A_59 = arith.constant 0 : index
    %swap3A_60 = tpu.vector_load %arg17[%swap3A_59] {strides = array<i32>} : memref<128xf32, #tpu.memory_space<vmem>>, vector<16xf32>,
    tpu.vector_store %arg17[%swap3A_59], %add3A_47 {strides = array<i32>} : memref<128xf32, #tpu.memory_space<vmem>>, vector<16xf32>,
    %swap3A_61 = arith.constant 16 : index
    %swap3A_62 = tpu.vector_load %arg17[%swap3A_61] {strides = array<i32>} : memref<128xf32, #tpu.memory_space<vmem>>, vector<16xf32>,
    tpu.vector_store %arg17[%swap3A_61], %add3A_58 {strides = array<i32>} : memref<128xf32, #tpu.memory_space<vmem>>, vector<16xf32>,
    %mul3A_63 = arith.constant 2 : i32
    %mul3A_64 = arith.muli %arg1, %mul3A_63 : i32
    %mul3A_65 = arith.constant 16 : i32
    %mul3A_66 = arith.muli %mul3A_64, %mul3A_65 : i32
    "tpu.region"() ({
      %run_scoped3A = tpu.sem_alloc : memref<!tpu.dma_semaphore, #tpu.memory_space<semaphore_mem>>
      %dma_start3A_85 = arith.constant 0 : i32
      %dma_start3A_86 = tpu.memref_slice %arg17[%dma_start3A_85] : memref<128xf32, #tpu.memory_space<vmem>> -> memref<32xf32, #tpu.memory_space<vmem>>
      %dma_start3A_87 = tpu.memref_slice %arg9[%mul3A_66] : memref<512xf32, #tpu.memory_space<hbm>> -> memref<32xf32, #tpu.memory_space<hbm>>
      %dma_start3A_88 = tpu.memref_slice %arg9[%mul3A_66] : memref<512xf32, #tpu.memory_space<hbm>> -> memref<32xf32, #tpu.memory_space<hbm>>
      %dma_start3A_89 = arith.constant 0 : i32
      %dma_start3A_90 = tpu.memref_slice %arg17[%dma_start3A_89] : memref<128xf32, #tpu.memory_space<vmem>> -> memref<32xf32, #tpu.memory_space<vmem>>
      tpu.enqueue_dma source(%dma_start3A_90 : memref<32xf32, #tpu.memory_space<vmem>>) target(%dma_start3A_88 : memref<32xf32, #tpu.memory_space<hbm>>) target_semaphore(%run_scoped3A : memref<!tpu.dma_semaphore, #tpu.memory_space<semaphore_mem>>)
      %dma_wait3A_91 = arith.constant 0 : i32
      %dma_wait3A_92 = tpu.memref_slice %arg17[%dma_wait3A_91] : memref<128xf32, #tpu.memory_space<vmem>> -> memref<32xf32, #tpu.memory_space<vmem>>
      %dma_wait3A_93 = tpu.memref_slice %arg9[%mul3A_66] : memref<512xf32, #tpu.memory_space<hbm>> -> memref<32xf32, #tpu.memory_space<hbm>>
      %dma_wait3A_94 = tpu.memref_slice %arg9[%mul3A_66] : memref<512xf32, #tpu.memory_space<hbm>> -> memref<32xf32, #tpu.memory_space<hbm>>
      %dma_wait3A_95 = arith.constant 0 : i32
      %dma_wait3A_96 = tpu.memref_slice %arg17[%dma_wait3A_95] : memref<128xf32, #tpu.memory_space<vmem>> -> memref<32xf32, #tpu.memory_space<vmem>>
      tpu.wait_dma2 semaphore(%run_scoped3A : memref<!tpu.dma_semaphore, #tpu.memory_space<semaphore_mem>>) src(%dma_wait3A_96 : memref<32xf32, #tpu.memory_space<vmem>>) dst(%dma_wait3A_94 : memref<32xf32, #tpu.memory_space<hbm>>)
      tpu.yield
    }) : () -> ()
    %barrier3A = arith.constant 0 : index
    tpu.barrier barrier_id(%barrier3A)
    "tpu.region"() ({
      %run_scoped3A = tpu.sem_alloc : memref<!tpu.dma_semaphore, #tpu.memory_space<semaphore_mem>>
      tpu.enqueue_dma source(%arg9 : memref<512xf32, #tpu.memory_space<hbm>>) target(%arg19 : memref<512xf32, #tpu.memory_space<vmem>>) target_semaphore(%run_scoped3A : memref<!tpu.dma_semaphore, #tpu.memory_space<semaphore_mem>>)
      tpu.wait_dma2 semaphore(%run_scoped3A : memref<!tpu.dma_semaphore, #tpu.memory_space<semaphore_mem>>) src(%arg9 : memref<512xf32, #tpu.memory_space<hbm>>) dst(%arg19 : memref<512xf32, #tpu.memory_space<vmem>>)
      tpu.yield
    }) : () -> ()
    %broadcast_in_dim3A_67 = arith.constant 0.000000e+00 : f32
    %broadcast_in_dim3A_68 = vector.broadcast %broadcast_in_dim3A_67 : f32 to vector<16xf32>
    %broadcast_in_dim3A_69 = arith.constant 0.000000e+00 : f32
    %broadcast_in_dim3A_70 = vector.broadcast %broadcast_in_dim3A_69 : f32 to vector<16xf32>
    %scan3A = arith.constant 0 : i32
    %scan3A_71 = arith.constant 16 : i32
    %scan3A_72 = arith.addi %scan3A, %scan3A_71 : i32
    %scan3A_73 = arith.constant 1 : i32
    %scan3A_74:2 = scf.for %scan3A_85 = %scan3A to %scan3A_72 step %scan3A_73 iter_args(%scan3A_86 = %broadcast_in_dim3A_68, %scan3A_87 = %broadcast_in_dim3A_70) -> (vector<16xf32>, vector<16xf32>)  : i32 {
      %mul3A_88 = arith.constant 2 : i32
      %mul3A_89 = arith.muli %scan3A_85, %mul3A_88 : i32
      %mul3A_90 = arith.constant 16 : i32
      %mul3A_91 = arith.muli %mul3A_89, %mul3A_90 : i32
      %get3A_92 = arith.index_cast %mul3A_91 : i32 to index
      %get3A_93 = tpu.vector_load %arg19[%get3A_92] {strides = array<i32>} : memref<512xf32, #tpu.memory_space<vmem>>, vector<16xf32>,
      %add3A_94 = arith.addf %scan3A_86, %get3A_93 : vector<16xf32>
      %mul3A_95 = arith.constant 2 : i32
      %mul3A_96 = arith.muli %scan3A_85, %mul3A_95 : i32
      %mul3A_97 = arith.constant 16 : i32
      %mul3A_98 = arith.muli %mul3A_96, %mul3A_97 : i32
      %add3A_99 = arith.constant 16 : i32
      %add3A_100 = arith.addi %mul3A_98, %add3A_99 : i32
      %get3A_101 = arith.index_cast %add3A_100 : i32 to index
      %get3A_102 = tpu.vector_load %arg19[%get3A_101] {strides = array<i32>} : memref<512xf32, #tpu.memory_space<vmem>>, vector<16xf32>,
      %add3A_103 = arith.addf %scan3A_87, %get3A_102 : vector<16xf32>
      scf.yield %add3A_94, %add3A_103 : vector<16xf32>, vector<16xf32>
    }
    %scan3A_75 = arith.constant 16 : i32
    %div3A = arith.constant 1.000000e+00 : f32
    %div3A_76 = vector.broadcast %div3A : f32 to vector<16xf32>
    %div3A_77 = arith.divf %div3A_76, %scan3A_74#0 : vector<16xf32>
    %swap3A_78 = arith.constant 0 : index
    %swap3A_79 = tpu.vector_load %arg18[%swap3A_78] {strides = array<i32>} : memref<16xf32, #tpu.memory_space<vmem>>, vector<16xf32>,
    tpu.vector_store %arg18[%swap3A_78], %div3A_77 {strides = array<i32>} : memref<16xf32, #tpu.memory_space<vmem>>, vector<16xf32>,
    %eq3A = arith.constant 0 : i32
    %eq3A_80 = arith.cmpi eq, %arg1, %eq3A : i32
    %convert_element_type3A = arith.extui %eq3A_80 : i1 to i32
    %cond3A = arith.constant 0 : i32
    %cond3A_81 = arith.cmpi ne, %convert_element_type3A, %cond3A : i32
    scf.if %cond3A_81 {
      %gt3A = arith.constant 0.000000e+00 : f32
      %gt3A_85 = vector.broadcast %gt3A : f32 to vector<16xf32>
      %gt3A_86 = arith.cmpf ogt, %scan3A_74#0, %gt3A_85 : vector<16xf32>
      %div3A_87 = arith.divf %scan3A_74#1, %scan3A_74#0 : vector<16xf32>
      %jit3A = arith.constant 0.000000e+00 : f32
      %broadcast_in_dim3A_88 = vector.broadcast %jit3A : f32 to vector<16xf32>
      %select_n3A = arith.select %gt3A_86, %div3A_87, %broadcast_in_dim3A_88 : vector<16xi1>, vector<16xf32>
      %swap3A_89 = arith.constant 0 : index
      %swap3A_90 = tpu.vector_load %arg20[%swap3A_89] {strides = array<i32>} : memref<16xf32, #tpu.memory_space<vmem>>, vector<16xf32>,
      tpu.vector_store %arg20[%swap3A_89], %select_n3A {strides = array<i32>} : memref<16xf32, #tpu.memory_space<vmem>>, vector<16xf32>,
      "tpu.region"() ({
        %run_scoped3A = tpu.sem_alloc : memref<!tpu.dma_semaphore, #tpu.memory_space<semaphore_mem>>
        tpu.enqueue_dma source(%arg20 : memref<16xf32, #tpu.memory_space<vmem>>) target(%arg8 : memref<16xf32, #tpu.memory_space<hbm>>) target_semaphore(%run_scoped3A : memref<!tpu.dma_semaphore, #tpu.memory_space<semaphore_mem>>)
        tpu.wait_dma2 semaphore(%run_scoped3A : memref<!tpu.dma_semaphore, #tpu.memory_space<semaphore_mem>>) src(%arg20 : memref<16xf32, #tpu.memory_space<vmem>>) dst(%arg8 : memref<16xf32, #tpu.memory_space<hbm>>)
        tpu.yield
      }) : () -> ()
    } else {
    }
    %parallel_loop3A_82 = arith.constant 0 : i32
    %parallel_loop3A_83 = arith.constant 128 : i32
    %parallel_loop3A_84 = arith.constant 1 : i32
    scf.for %parallel_loop3A_85 = %parallel_loop3A_82 to %parallel_loop3A_83 step %parallel_loop3A_84  : i32 {
      %parallel_loop3A_86 = arith.constant 16 : i32
      %parallel_loop3A_87 = arith.muli %parallel_loop3A_85, %parallel_loop3A_86 : i32
      %parallel_loop3A_88 = arith.index_cast %parallel_loop3A_87 : i32 to index
      %parallel_loop3A_89 = tpu.vector_load %arg12[%parallel_loop3A_88] {strides = array<i32>} : memref<2048xi32, #tpu.memory_space<vmem>>, vector<16xi32>,
      %parallel_loop3A_90 = tpu.vector_load_idx %arg18[%parallel_loop3A_89] : memref<16xf32, #tpu.memory_space<vmem>>[vector<16xi32>], vector<16xf32>,
      %parallel_loop3A_91 = arith.index_cast %parallel_loop3A_87 : i32 to index
      %parallel_loop3A_92 = tpu.vector_load %arg13[%parallel_loop3A_91] {strides = array<i32>} : memref<2048xf32, #tpu.memory_space<vmem>>, vector<16xf32>,
      %parallel_loop3A_93 = arith.mulf %parallel_loop3A_92, %parallel_loop3A_90 : vector<16xf32>
      %parallel_loop3A_94 = arith.index_cast %parallel_loop3A_87 : i32 to index
      %parallel_loop3A_95 = tpu.vector_load %arg14[%parallel_loop3A_94] {strides = array<i32>} : memref<2048xf32, #tpu.memory_space<vmem>>, vector<16xf32>,
      tpu.vector_store %arg14[%parallel_loop3A_94], %parallel_loop3A_93 {strides = array<i32>} : memref<2048xf32, #tpu.memory_space<vmem>>, vector<16xf32>,
      %parallel_loop3A_96 = arith.index_cast %parallel_loop3A_87 : i32 to index
      %parallel_loop3A_97 = tpu.vector_load %arg11[%parallel_loop3A_96] {strides = array<i32>} : memref<2048xf32, #tpu.memory_space<vmem>>, vector<16xf32>,
      %parallel_loop3A_98 = arith.mulf %parallel_loop3A_93, %parallel_loop3A_97 : vector<16xf32>
      %parallel_loop3A_99 = arith.index_cast %parallel_loop3A_87 : i32 to index
      %parallel_loop3A_100 = tpu.vector_load %arg15[%parallel_loop3A_99] {strides = array<i32>} : memref<2048xf32, #tpu.memory_space<vmem>>, vector<16xf32>,
      tpu.vector_store %arg15[%parallel_loop3A_99], %parallel_loop3A_98 {strides = array<i32>} : memref<2048xf32, #tpu.memory_space<vmem>>, vector<16xf32>,
    } {sc.loop_unroll_factor = 4 : i64, sc.parallel_access}
    "tpu.region"() ({
      %run_scoped3A = tpu.sem_alloc : memref<!tpu.dma_semaphore, #tpu.memory_space<semaphore_mem>>
      %dma_start3A_85 = tpu.memref_slice %arg6[%mul3A_0] : memref<32768xf32, #tpu.memory_space<hbm>> -> memref<2048xf32, #tpu.memory_space<hbm>>
      %dma_start3A_86 = tpu.memref_slice %arg6[%mul3A_0] : memref<32768xf32, #tpu.memory_space<hbm>> -> memref<2048xf32, #tpu.memory_space<hbm>>
      tpu.enqueue_dma source(%arg14 : memref<2048xf32, #tpu.memory_space<vmem>>) target(%dma_start3A_86 : memref<2048xf32, #tpu.memory_space<hbm>>) target_semaphore(%run_scoped3A : memref<!tpu.dma_semaphore, #tpu.memory_space<semaphore_mem>>)
      %dma_wait3A_87 = tpu.memref_slice %arg6[%mul3A_0] : memref<32768xf32, #tpu.memory_space<hbm>> -> memref<2048xf32, #tpu.memory_space<hbm>>
      %dma_wait3A_88 = tpu.memref_slice %arg6[%mul3A_0] : memref<32768xf32, #tpu.memory_space<hbm>> -> memref<2048xf32, #tpu.memory_space<hbm>>
      tpu.wait_dma2 semaphore(%run_scoped3A : memref<!tpu.dma_semaphore, #tpu.memory_space<semaphore_mem>>) src(%arg14 : memref<2048xf32, #tpu.memory_space<vmem>>) dst(%dma_wait3A_88 : memref<2048xf32, #tpu.memory_space<hbm>>)
      tpu.yield
    }) : () -> ()
    "tpu.region"() ({
      %run_scoped3A = tpu.sem_alloc : memref<!tpu.dma_semaphore, #tpu.memory_space<semaphore_mem>>
      %dma_start3A_85 = tpu.memref_slice %arg7[%mul3A_0] : memref<32768xf32, #tpu.memory_space<hbm>> -> memref<2048xf32, #tpu.memory_space<hbm>>
      %dma_start3A_86 = tpu.memref_slice %arg7[%mul3A_0] : memref<32768xf32, #tpu.memory_space<hbm>> -> memref<2048xf32, #tpu.memory_space<hbm>>
      tpu.enqueue_dma source(%arg15 : memref<2048xf32, #tpu.memory_space<vmem>>) target(%dma_start3A_86 : memref<2048xf32, #tpu.memory_space<hbm>>) target_semaphore(%run_scoped3A : memref<!tpu.dma_semaphore, #tpu.memory_space<semaphore_mem>>)
      %dma_wait3A_87 = tpu.memref_slice %arg7[%mul3A_0] : memref<32768xf32, #tpu.memory_space<hbm>> -> memref<2048xf32, #tpu.memory_space<hbm>>
      %dma_wait3A_88 = tpu.memref_slice %arg7[%mul3A_0] : memref<32768xf32, #tpu.memory_space<hbm>> -> memref<2048xf32, #tpu.memory_space<hbm>>
      tpu.wait_dma2 semaphore(%run_scoped3A : memref<!tpu.dma_semaphore, #tpu.memory_space<semaphore_mem>>) src(%arg15 : memref<2048xf32, #tpu.memory_space<vmem>>) dst(%dma_wait3A_88 : memref<2048xf32, #tpu.memory_space<hbm>>)
      tpu.yield
    }) : () -> ()
    return
  }
}

module attributes {stable_mosaic.version = 14 : i64} {
  func.func @_tc_body(%arg0: i32, %arg1: memref<8192x128xf32, #tpu.memory_space<vmem>>, %arg2: memref<8192x256xf32, #tpu.memory_space<vmem>>, %arg3: memref<128x2xf32, #tpu.memory_space<vmem>>, %arg4: memref<256x2xf32, #tpu.memory_space<vmem>>, %arg5: memref<8x128xf32, #tpu.memory_space<vmem>>, %arg6: memref<1x1x8192xf32, #tpu.memory_space<vmem>>, %arg7: memref<1x1x8192xf32, #tpu.memory_space<vmem>>, %arg8: memref<1x128xf32, #tpu.memory_space<vmem>>, %arg9: memref<1x128xf32, #tpu.memory_space<vmem>>) attributes {dimension_semantics = [#tpu.dimension_semantics<arbitrary>], iteration_bounds = array<i64: 4>, scalar_prefetch = 0 : i64, scratch_operands = 1 : i64, tpu.core_type = #tpu.core_type<tc>, window_params = [{transform_indices = @transform_0, window_bounds = array<i64: 8192, 128>}, {transform_indices = @transform_1, window_bounds = array<i64: 8192, 256>}, {pipeline_mode = #tpu.pipeline_mode<synchronous>, transform_indices = @transform_2, window_bounds = array<i64: 128, 2>}, {pipeline_mode = #tpu.pipeline_mode<synchronous>, transform_indices = @transform_3, window_bounds = array<i64: 256, 2>}, {pipeline_mode = #tpu.pipeline_mode<synchronous>, transform_indices = @transform_4, window_bounds = array<i64: 8, 128>}, {transform_indices = @transform_5, window_bounds = array<i64: 1, 1, 8192>}, {transform_indices = @transform_6, window_bounds = array<i64: 1, 1, 8192>}, {pipeline_mode = #tpu.pipeline_mode<synchronous>, transform_indices = @transform_7, window_bounds = array<i64: 1, 128>}]} {
    %get3A = arith.constant 0 : index
    %get3A_0 = arith.constant 0 : index
    %get3A_1 = vector.load %arg3[%get3A, %get3A_0] : memref<128x2xf32, #tpu.memory_space<vmem>>, vector<128x2xf32>
    %get3A_2 = arith.constant 0 : index
    %get3A_3 = arith.constant 0 : index
    %get3A_4 = vector.load %arg1[%get3A_2, %get3A_3] : memref<8192x128xf32, #tpu.memory_space<vmem>>, vector<8192x128xf32>
    %dot_general3A = arith.constant dense<0.000000e+00> : vector<2x8192xf32>
    %dot_general3A_5 = tpu.matmul %get3A_1, %get3A_4, %dot_general3A {dimension_numbers = #tpu.dot_dimension_numbers<[0], [1], [1], [0], [0, 1, 1, 0], [], []>, transpose_lhs_hint = false} : vector<128x2xf32>, vector<8192x128xf32>, vector<2x8192xf32> -> vector<2x8192xf32>
    %get3A_6 = arith.constant 0 : index
    %get3A_7 = arith.constant 0 : index
    %get3A_8 = vector.load %arg4[%get3A_6, %get3A_7] : memref<256x2xf32, #tpu.memory_space<vmem>>, vector<256x2xf32>
    %get3A_9 = arith.constant 0 : index
    %get3A_10 = arith.constant 0 : index
    %get3A_11 = vector.load %arg2[%get3A_9, %get3A_10] : memref<8192x256xf32, #tpu.memory_space<vmem>>, vector<8192x256xf32>
    %dot_general3A_12 = arith.constant dense<0.000000e+00> : vector<2x8192xf32>
    %dot_general3A_13 = tpu.matmul %get3A_8, %get3A_11, %dot_general3A_12 {dimension_numbers = #tpu.dot_dimension_numbers<[0], [1], [1], [0], [0, 1, 1, 0], [], []>, transpose_lhs_hint = false} : vector<256x2xf32>, vector<8192x256xf32>, vector<2x8192xf32> -> vector<2x8192xf32>
    %add3A = arith.addf %dot_general3A_5, %dot_general3A_13 : vector<2x8192xf32>
    %slice3A = vector.extract_strided_slice %add3A {offsets = [0, 0], sizes = [1, 8192], strides = [1, 1]} : vector<2x8192xf32> to vector<1x8192xf32>
    %get3A_14 = arith.constant 0 : index
    %get3A_15 = arith.constant 0 : index
    %get3A_16 = vector.load %arg5[%get3A_14, %get3A_15] : memref<8x128xf32, #tpu.memory_space<vmem>>, vector<1x1xf32>
    %add3A_17 = vector.broadcast %get3A_16 : vector<1x1xf32> to vector<1x8192xf32>
    %add3A_18 = arith.addf %slice3A, %add3A_17 : vector<1x8192xf32>
    %slice3A_19 = vector.extract_strided_slice %add3A {offsets = [1, 0], sizes = [1, 8192], strides = [1, 1]} : vector<2x8192xf32> to vector<1x8192xf32>
    %reshape3A = vector.shape_cast %slice3A_19 : vector<1x8192xf32> to vector<1x1x8192xf32>
    %swap3A = arith.constant 0 : index
    %swap3A_20 = arith.constant 0 : index
    %swap3A_21 = arith.constant 0 : index
    %swap3A_22 = vector.load %arg6[%swap3A, %swap3A_20, %swap3A_21] : memref<1x1x8192xf32, #tpu.memory_space<vmem>>, vector<1x1x8192xf32>
    tpu.vector_store %arg6[%swap3A, %swap3A_20, %swap3A_21], %reshape3A {strides = array<i32>} : memref<1x1x8192xf32, #tpu.memory_space<vmem>>, vector<1x1x8192xf32>,
    %reshape3A_23 = vector.shape_cast %add3A_18 : vector<1x8192xf32> to vector<1x1x8192xf32>
    %swap3A_24 = arith.constant 0 : index
    %swap3A_25 = arith.constant 0 : index
    %swap3A_26 = arith.constant 0 : index
    %swap3A_27 = vector.load %arg7[%swap3A_24, %swap3A_25, %swap3A_26] : memref<1x1x8192xf32, #tpu.memory_space<vmem>>, vector<1x1x8192xf32>
    tpu.vector_store %arg7[%swap3A_24, %swap3A_25, %swap3A_26], %reshape3A_23 {strides = array<i32>} : memref<1x1x8192xf32, #tpu.memory_space<vmem>>, vector<1x1x8192xf32>,
    %reduce_max3A = vector.shape_cast %slice3A_19 : vector<1x8192xf32> to vector<1x1x8192xf32>
    %reduce_max3A_28 = arith.constant dense<0xFF800000> : vector<1xf32>
    %reduce_max3A_29 = vector.multi_reduction <maximumf>, %reduce_max3A, %reduce_max3A_28 [1, 2] : vector<1x1x8192xf32> to vector<1xf32>
    %reduce_max3A_30 = vector.shape_cast %reduce_max3A_29 : vector<1xf32> to vector<1x1x1xf32>
    %reduce_max3A_31 = vector.extract %reduce_max3A_30[0, 0, 0] : f32 from vector<1x1x1xf32>
    %eq3A = arith.constant 0 : i32
    %eq3A_32 = arith.cmpi eq, %arg0, %eq3A : i32
    %convert_element_type3A = arith.extui %eq3A_32 : i1 to i32
    %cond3A = arith.constant 0 : i32
    %cond3A_33 = arith.cmpi ne, %convert_element_type3A, %cond3A : i32
    scf.if %cond3A_33 {
      %broadcast_in_dim3A = arith.constant 0xFF800000 : f32
      %broadcast_in_dim3A_46 = vector.broadcast %broadcast_in_dim3A : f32 to vector<1x128xf32>
      %swap3A_47 = arith.constant 0 : index
      %swap3A_48 = arith.constant 0 : index
      %swap3A_49 = vector.load %arg9[%swap3A_47, %swap3A_48] : memref<1x128xf32, #tpu.memory_space<vmem>>, vector<1x128xf32>
      tpu.vector_store %arg9[%swap3A_47, %swap3A_48], %broadcast_in_dim3A_46 {strides = array<i32>} : memref<1x128xf32, #tpu.memory_space<vmem>>, vector<1x128xf32>,
    } else {
    }
    %get3A_34 = arith.constant 0 : index
    %get3A_35 = arith.constant 0 : index
    %get3A_36 = vector.load %arg9[%get3A_34, %get3A_35] : memref<1x128xf32, #tpu.memory_space<vmem>>, vector<1x128xf32>
    %max3A = vector.broadcast %reduce_max3A_31 : f32 to vector<1x128xf32>
    %max3A_37 = arith.maximumf %get3A_36, %max3A : vector<1x128xf32>
    %swap3A_38 = arith.constant 0 : index
    %swap3A_39 = arith.constant 0 : index
    %swap3A_40 = vector.load %arg9[%swap3A_38, %swap3A_39] : memref<1x128xf32, #tpu.memory_space<vmem>>, vector<1x128xf32>
    tpu.vector_store %arg9[%swap3A_38, %swap3A_39], %max3A_37 {strides = array<i32>} : memref<1x128xf32, #tpu.memory_space<vmem>>, vector<1x128xf32>,
    %eq3A_41 = arith.constant 3 : i32
    %eq3A_42 = arith.cmpi eq, %arg0, %eq3A_41 : i32
    %convert_element_type3A_43 = arith.extui %eq3A_42 : i1 to i32
    %cond3A_44 = arith.constant 0 : i32
    %cond3A_45 = arith.cmpi ne, %convert_element_type3A_43, %cond3A_44 : i32
    scf.if %cond3A_45 {
      %get3A_46 = arith.constant 0 : index
      %get3A_47 = arith.constant 0 : index
      %get3A_48 = vector.load %arg9[%get3A_46, %get3A_47] : memref<1x128xf32, #tpu.memory_space<vmem>>, vector<1x128xf32>
      %swap3A_49 = arith.constant 0 : index
      %swap3A_50 = arith.constant 0 : index
      %swap3A_51 = vector.load %arg8[%swap3A_49, %swap3A_50] : memref<1x128xf32, #tpu.memory_space<vmem>>, vector<1x128xf32>
      tpu.vector_store %arg8[%swap3A_49, %swap3A_50], %get3A_48 {strides = array<i32>} : memref<1x128xf32, #tpu.memory_space<vmem>>, vector<1x128xf32>,
    } else {
    }
    return
  }
  func.func @transform_0(%arg0: i32) -> (i32, i32) {
    %c0_i32 = arith.constant 0 : i32
    %c0_i32_0 = arith.constant 0 : i32
    return %arg0, %c0_i32 : i32, i32
  }
  func.func @transform_1(%arg0: i32) -> (i32, i32) {
    %c0_i32 = arith.constant 0 : i32
    %c0_i32_0 = arith.constant 0 : i32
    return %arg0, %c0_i32 : i32, i32
  }
  func.func @transform_2(%arg0: i32) -> (i32, i32) {
    %c0_i32 = arith.constant 0 : i32
    %c0_i32_0 = arith.constant 0 : i32
    %c0_i32_1 = arith.constant 0 : i32
    return %c0_i32, %c0_i32_0 : i32, i32
  }
  func.func @transform_3(%arg0: i32) -> (i32, i32) {
    %c0_i32 = arith.constant 0 : i32
    %c0_i32_0 = arith.constant 0 : i32
    %c0_i32_1 = arith.constant 0 : i32
    return %c0_i32, %c0_i32_0 : i32, i32
  }
  func.func @transform_4(%arg0: i32) -> (i32, i32) {
    %c0_i32 = arith.constant 0 : i32
    %c0_i32_0 = arith.constant 0 : i32
    %c0_i32_1 = arith.constant 0 : i32
    return %c0_i32, %c0_i32_0 : i32, i32
  }
  func.func @transform_5(%arg0: i32) -> (i32, i32, i32) {
    %c0_i32 = arith.constant 0 : i32
    %c0_i32_0 = arith.constant 0 : i32
    %c0_i32_1 = arith.constant 0 : i32
    return %arg0, %c0_i32, %c0_i32_0 : i32, i32, i32
  }
  func.func @transform_6(%arg0: i32) -> (i32, i32, i32) {
    %c0_i32 = arith.constant 0 : i32
    %c0_i32_0 = arith.constant 0 : i32
    %c0_i32_1 = arith.constant 0 : i32
    return %arg0, %c0_i32, %c0_i32_0 : i32, i32, i32
  }
  func.func @transform_7(%arg0: i32) -> (i32, i32) {
    %c0_i32 = arith.constant 0 : i32
    %c0_i32_0 = arith.constant 0 : i32
    %c0_i32_1 = arith.constant 0 : i32
    return %c0_i32, %c0_i32_0 : i32, i32
  }
}

</mosaic_0001>

<sc_bundles>
// kernel: kernel.4.cloned.1.call-start
scs
__scs_entry_jumppad:
0x0: {  	(pc) =	sbr.rel $0x88, $3  }
0x1: {  	(tag) =	ssettag $0x0;
	lr =	simm.s32 $0x1  }
0x2: {  	[smem:$0x3F99] =	sst lr;
	_ =	strace $0xD0000000  }
0x3: {  	_ = 	snop  }
0x4: {  	_ = 	snop  }
0x5: {  	_ = 	snop  }
0x6: {  	_ = 	snop  }
0x7: {  	_ = 	snop  }
__scs_overlays_trampoline_lowered:
0x8: {  	[smem:$0x3FA8] =	sst s0  }
0x9: {  	[smem:$0x3FA9] =	sst s1  }
0xa: {  	[smem:$0x3FAA] =	sst s2  }
0xb: {  	[smem:$0x3FAB] =	sst s3  }
0xc: {  	[smem:$0x3FAC] =	sst s4  }
0xd: {  	[smem:$0x3FAD] =	sst s5  }
0xe: {  	[smem:$0x3FAE] =	sst s6  }
0xf: {  	[smem:$0x3FAF] =	sst s7  }
0x10: {  	[smem:$0x3FB0] =	sst s8  }
0x11: {  	[smem:$0x3FB1] =	sst s9;
	s0 =	simm.s32 @!p0 $0x0  }
0x12: {  	s1 =	sld [smem:$0x3F97];
	s0 =	simm.s32 @p0 $0x1  }
0x13: {  	[smem:$0x3FB2] =	sst s0;
	s0 =	simm.s32 @!p1 $0x0  }
0x14: {  	s2 =	sld [smem:$0x3F96];
	s0 =	simm.s32 @p1 $0x1  }
0x15: {  	[smem:$0x3FB3] =	sst s0;
	s0 =	simm.s32 @!p2 $0x0  }
0x16: {  	s3 =	sld [smem:$0x3FDB];
	s0 =	simm.s32 @p2 $0x1  }
0x17: {  	s4 =	simm.s32 $0x1BF5;
	[smem:$0x3FB5] =	sst s0  }
0x18: {  	s0 =	sld [smem:$0x3F98];
	_ =	swait.ge [sflag:s4], $0x0  }
0x19: {  	s7 =	sld [smem:$0x3F99]  }
0x1a: {  	s8 =	sadd.s32 $0xFFFFE003, lr  }
0x1b: {  	s9 =	sadd.s32 $0xFFFFFEF7, lr;
	s5 =	simm.s32 $0xFFFFFFFF;
	p2 =	slt.u32 s8, $0xFFFFF086  }
0x1c: {  	p1 =	slt.u32 s9, $0xF7A;
	s5 =	simm.s32 @!p2 $0x0  }
0x1d: {  	s5 =	simm.s32 @p1 $0x1;
	p0 =	seq.s32 s7, s2  }
0x1e: {  	s7 =	smul.u32 @!p0 $0xF7A, s2;
	p2 =	seq.s32 @!p0 s5, $0x0  }
0x1f: {  	s9 =	smul.u32 $0xF7A, s1;
	s8 =	simm.s32 @!p0 $0x1BF5;
	p2 =	por !p2, p0  }
0x20: {  	[sflag:s8] =	ssyncset.s32 @!p0 $0xFFFFF086;
	s6 =	sadd.s32 @!p0 s3, s7;
	s7 =	simm.s32 @!p0 $0x108  }
0x21: {  	s3 =	sadd.s32 s3, s9;
	s6 =	sadd.s32 @!p0 $0x88, s6;
	s7 =	simm.s32 @p2 $0x1082  }
0x22: {  	[simem:s7], [sflag:s8] =	dma.local @!p0 [hbm:s6], $0xF7A  }
0x23: {  	s9 =	sor.u32 $0xD0000000, s2;
	s6 =	simm.s32 $0x108;
	_ =	swait.ge @!p0 [sflag:s8], $0x0  }
0x24: {  	s3 =	sadd.s32 $0x88, s3;
	s6 =	simm.s32 @!p1 $0x1082;
	[sflag:s4] =	ssyncset.s32 $0xFFFFF086  }
0x25: {  	[simem:s6], [sflag:s4] =	dma.local [hbm:s3], $0xF7A  }
0x26: {  	[smem:$0x3F99] =	sst s1;
	(tag) =	ssettag s2;
	_ =	strace s9  }
0x27: {  	s1 =	sld [smem:$0x3FA9]  }
0x28: {  	s2 =	sld [smem:$0x3FAA]  }
0x29: {  	s4 =	sld [smem:$0x3FAC]  }
0x2a: {  	p0 =	seq.s32 s5, $0x0;
	s5 =	sld [smem:$0x3FAD]  }
0x2b: {  	s6 =	sld [smem:$0x3FAE]  }
0x2c: {  	s7 =	sld [smem:$0x3FAF]  }
0x2d: {  	s3 =	simm.s32 $0x108;
	s8 =	sld [smem:$0x3FB0]  }
0x2e: {  	s3 =	simm.s32 @!p0 $0x1082;
	s9 =	sld [smem:$0x3FB1]  }
0x2f: {  	lr =	sadd.s32 s0, s3;
	s0 =	sld [smem:$0x3FA8]  }
0x30: {  	s3 =	sld [smem:$0x3FAB]  }
0x31: {  	[smem:$0x3FB4] =	sst s10  }
0x32: {  	s10 =	sld [smem:$0x3FB2];
	_ =	sdelay $0x3  }
0x33: {  	p0 =	seq.s32 s10, $0x1;
	s10 =	sld [smem:$0x3FB4];
	_ =	sdelay $0x3  }
0x34: {  	[smem:$0x3FB4] =	sst s10  }
0x35: {  	s10 =	sld [smem:$0x3FB3];
	_ =	sdelay $0x3  }
0x36: {  	p1 =	seq.s32 s10, $0x1;
	s10 =	sld [smem:$0x3FB4];
	_ =	sdelay $0x3  }
0x37: {  	[smem:$0x3FB4] =	sst s10  }
0x38: {  	s10 =	sld [smem:$0x3FB5]  }
0x39: {  	_ = 	snop;
	(pc) =	sbr.ind lr, $3  }
0x3a: {  	_ = 	snop  }
0x3b: {  	_ = 	snop  }
0x3c: {  	p2 =	seq.s32 s10, $0x1;
	s10 =	sld [smem:$0x3FB4]  }
0x3d: {  	_ =	shalt  }
0x3e: {  	_ =	shalt  }
0x3f: {  	_ =	shalt  }
0x40: {  	_ =	shalt  }
0x41: {  	_ =	shalt  }
0x42: {  	_ =	shalt  }
0x43: {  	_ =	shalt  }
0x44: {  	_ =	shalt  }
0x45: {  	_ =	shalt  }
0x46: {  	_ =	shalt  }
0x47: {  	_ =	shalt  }
0x48: {  	_ =	shalt  }
0x49: {  	_ =	shalt  }
0x4a: {  	_ =	shalt  }
0x4b: {  	_ =	shalt  }
0x4c: {  	_ =	shalt  }
0x4d: {  	_ =	shalt  }
0x4e: {  	_ =	shalt  }
0x4f: {  	_ =	shalt  }
0x50: {  	_ =	shalt  }
0x51: {  	_ =	shalt  }
0x52: {  	_ =	shalt  }
0x53: {  	_ =	shalt  }
0x54: {  	_ =	shalt  }
0x55: {  	_ =	shalt  }
0x56: {  	_ =	shalt  }
0x57: {  	_ =	shalt  }
0x58: {  	_ =	shalt  }
0x59: {  	_ =	shalt  }
0x5a: {  	_ =	shalt  }
0x5b: {  	_ =	shalt  }
0x5c: {  	_ =	shalt  }
0x5d: {  	_ =	shalt  }
0x5e: {  	_ =	shalt  }
0x5f: {  	_ =	shalt  }
0x60: {  	_ =	shalt  }
0x61: {  	_ =	shalt  }
0x62: {  	_ =	shalt  }
0x63: {  	_ =	shalt  }
0x64: {  	_ =	shalt  }
0x65: {  	_ =	shalt  }
0x66: {  	_ =	shalt  }
0x67: {  	_ =	shalt  }
0x68: {  	_ =	shalt  }
0x69: {  	_ =	shalt  }
0x6a: {  	_ =	shalt  }
0x6b: {  	_ =	shalt  }
0x6c: {  	_ =	shalt  }
0x6d: {  	_ =	shalt  }
0x6e: {  	_ =	shalt  }
0x6f: {  	_ =	shalt  }
0x70: {  	_ =	shalt  }
0x71: {  	_ =	shalt  }
0x72: {  	_ =	shalt  }
0x73: {  	_ =	shalt  }
0x74: {  	_ =	shalt  }
0x75: {  	_ =	shalt  }
0x76: {  	_ =	shalt  }
0x77: {  	_ =	shalt  }
0x78: {  	_ =	shalt  }
0x79: {  	_ =	shalt  }
0x7a: {  	_ =	shalt  }
0x7b: {  	_ =	shalt  }
0x7c: {  	_ =	shalt  }
0x7d: {  	_ =	shalt  }
0x7e: {  	_ =	shalt  }
0x7f: {  	_ =	shalt  }
0x80: {  	_ =	shalt  }
0x81: {  	_ =	shalt  }
0x82: {  	_ =	shalt  }
0x83: {  	_ =	shalt  }
0x84: {  	_ =	shalt  }
0x85: {  	_ =	shalt  }
0x86: {  	_ =	shalt  }
0x87: {  	_ =	shalt  }
.Lfunc_end0:
.L_simem_size_0:
called_computation_lowered:
.L_overlay_start_0:
0x88: {  	s0 =	sld [smem:$0x3FD9]  }
0x89: {  	s1 =	sld [smem:$0x3FFE];
	_ =	sdelay $0x3  }
0x8a: {  	s0 =	sadd.s32 s1, s0  }
0x8b: {  	[smem:$0x3FC0] =	sst s0  }
0x8c: {  	_ = 	snop  }
0x8d: {  	s0 =	sld [smem:$0x3FD0];
	_ =	sdelay $0x2  }
0x8e: {  	s2 =	simm.s32 $0xA;
	s3 =	simm.s32 $0x10;
	s13 =	sld [smem:$0x3FC2]  }
0x8f: {  	[smem:s3], [sflag:s2] =	dma.local [hbm:s0], $0x1  }
0x90: {  	_ =	swait.eq [sflag:s2], $0x1  }
0x91: {  	s14 =	sld [smem:$0x10]  }
0x92: {  	s15 =	sld [smem:$0x11]  }
0x93: {  	s4 =	sld [smem:$0x12];
	[sflag:s2] =	ssyncset.done $0x0  }
0x94: {  	s5 =	sld [smem:$0x13];
	[sflag:s2] =	ssyncadd.s32 $0xFFFFFFFF  }
0x95: {  	s16 =	sld [smem:$0x14];
	(tm) =	ssettm $0x1  }
0x96: {  	s6 =	sld [smem:$0x3FFB];
	_ =	sdelay $0x3  }
0x97: {  	_ =	strace s6  }
0x98: {  	s6 =	sld [smem:$0x3FFC];
	_ =	sdelay $0x3  }
0x99: {  	_ =	strace s6  }
0x9a: {  	s6 =	sld [smem:$0x3FFD];
	_ =	sdelay $0x3  }
0x9b: {  	_ =	strace s6  }
0x9c: {  	_ =	strace $0x8FFFFFFF  }
0x9d: {  	s17 =	sld [smem:$0x3FDB];
	_ =	sdelay $0x1  }
0x9e: {  	s7 =	simm.s32 $_scs_section_size  }
0x9f: {  	s8 =	simm.s32 $_size__tile_overlayer_lowered;
	s9 =	simm.s32 $_tile_overlayer_lowered  }
0xa0: {  	s20 =	simm.s32 $0x1BFF;
	s19 =	sshll.u32 s9, $0x1;
	s6 =	sadd.s32 s7, s17  }
0xa1: {  	s10 =	simm.s32 $0x0;
	s18 =	sshll.u32 s8, $0x1;
	s8 =	sadd.s32 s19, s6  }
0xa2: {  	[timem:s10], [sflag:s20] =	dma.local [hbm:s8], s18  }
0xa3: {  	_ =	swait.ge [sflag:s20], s18  }
0xa4: {  	s7 =	ssub.s32 $0x0, s18;
	[sflag:s20] =	ssyncset.done $0x0  }
0xa5: {  	[sflag:s20] =	ssyncadd.s32 s7;
	_ =	sdelay $0x1  }
0xa6: {  	s21 =	simm.s32 $0x1B8B  }
0xa7: {  	_ =	swait.ge [sflag:s21], $0x1  }
0xa8: {  	[sflag:s21] =	ssyncset.done $0x0  }
0xa9: {  	s23 =	simm.s32 $0x1B8E;
	s22 =	sld [smem:$0x3FFE];
	[sflag:s21] =	ssyncadd.s32 $0xFFFFFFFF  }
0xaa: {  	s24 =	simm.s32 $execute0_lowered;
	[smem:$0x3FD2] =	sst s23  }
0xab: {  	s8 =	sshll.u32 s24, $0x1;
	_ =	strace $0x80000046;
	[dreg:$0x1] =	wrdreg $0xFFFFFFFF  }
0xac: {  	s25 =	simm.s32 $_size_execute0_lowered;
	s6 =	sadd.s32 s6, s8;
	[dreg:$0x0] =	wrdreg $0x0  }
0xad: {  	s8 =	sshll.u32 s25, $0x1;
	[dreg:$0x2] =	wrdreg s6  }
0xae: {  	[dreg:$0x3] =	wrdreg s8  }
0xaf: {  	[dreg:$0x4] =	wrdreg $0xC0  }
0xb0: {  	_ =	task [dreg:s10], $0x5FFFF  }
0xb1: {  	[dreg:$0x1] =	wrdreg $0xFFFFFFFF  }
0xb2: {  	[dreg:$0x0] =	wrdreg $0x60  }
0xb3: {  	[dreg:$0x2] =	wrdreg s16  }
0xb4: {  	[dreg:$0x3] =	wrdreg s4  }
0xb5: {  	[dreg:$0x4] =	wrdreg s13  }
0xb6: {  	[dreg:$0x5] =	wrdreg s22  }
0xb7: {  	[dreg:$0x6] =	wrdreg s5  }
0xb8: {  	[dreg:$0x7] =	wrdreg s15  }
0xb9: {  	[dreg:$0x8] =	wrdreg s14  }
0xba: {  	[dreg:$0x9] =	wrdreg $0x9  }
0xbb: {  	_ =	task.clear_ibuf [dreg:s10], $0xAFFFF;
	_ =	strace $0x90000046  }
0xbc: {  	s26 =	simm.s32 $0x9;
	_ =	strace $0x80000048  }
0xbd: {  	_ =	swait.ge [sflag:s26], $0x1  }
0xbe: {  	[sflag:s26] =	ssyncadd.s32 $0xFFFFFFFF  }
0xbf: {  	_ =	strace $0x90000048  }
0xc0: {  	_ =	sfence  }
0xc1: {  	s28 =	sld [smem:$0x0];
	_ =	sdelay $0x1  }
0xc2: {  	s29 =	srdreg.scid  }
0xc3: {  	s30 =	sshll.u32 s29, $0xD;
	s31 =	sshrl.u32 s29, $0x2  }
0xc4: {  	s1 =	sand.u32 $0x1, s29;
	s2 =	sand.u32 $0x4000, s30;
	s0 =	sadd.s32 s31, s28  }
0xc5: {  	s1 =	sor.u32 s2, s1;
	s0 =	sshll.u32 s0, $0x11  }
0xc6: {  	s0 =	sor.u32 s0, s1  }
0xc7: {  	s0 =	sadd.s32 $0x8F2B, s0  }
0xc8: {  	[sflag:s0] =	ssyncadd.remote.s32 $0x1  }
0xc9: {  	_ =	sfence.sel $0xFFFF  }
0xca: {  	[dreg:$0x0] =	wrdreg $0xFFFFFFFF;
	(pc) =	sbr.abs _section_cstart, $3  }
0xcb: {  	[dreg:$0x1] =	wrdreg $0xFFFFFFFF  }
0xcc: {  	_ =	task.clear_ibuf [dreg:s10], $0x2FFFF;
	_ =	strace $0x9FFFFFFF  }
0xcd: {  	(tm) =	ssettm $0x7FFFFFFF  }
tec
execute0_lowered:
.L_overlay_start_1:
0x0: {  	(tag) =	ssettag $0x1  }
0x1: {  	s6 =	rddreg [dreg:$0x0]  }
0x2: {  	s8 =	rddreg [dreg:$0x1]  }
0x3: {  	s9 =	rddreg [dreg:$0x2]  }
0x4: {  	s7 =	rddreg [dreg:$0x3]  }
0x5: {  	s1 =	rddreg [dreg:$0x4]  }
0x6: {  	s2 =	rddreg [dreg:$0x5]  }
0x7: {  	s4 =	rddreg [dreg:$0x6];
	s10 =	simm.s32 $0x0;
	s5 =	stileid.u32  }
0x8: {  	[smem:$0x7FF] =	sst s10;
	s3 =	sshll.u32 s5, $0x8  }
0x9: {  	s0 =	rddreg [dreg:$0x7];
	_ =	strace $0x80000047;
	s6 =	sadd.s32 s6, s3  }
0xa: {  	[tilespmem:s10], [sflag:$0x1] =	stream.linear.gather [hbm4b:s6+s10], $0x800, $0x38;
	[tilespmem:$0x3400] =	vst v63  }
0xb: {  	s21 =	simm.s32 $0x800;
	s20 =	sadd.s32 s8, s3  }
0xc: {  	[tilespmem:s21], [sflag:$0x1] =	stream.linear.gather [hbm4b:s20+s10], $0x800, $0x38;
	[tilespmem:$0x3400] =	vst v63  }
0xd: {  	s23 =	simm.s32 $0x1000;
	s22 =	sadd.s32 s9, s3  }
0xe: {  	[tilespmem:s23], [sflag:$0x1] =	stream.linear.gather [hbm4b:s22+s10], $0x800, $0x38;
	[tilespmem:$0x3400] =	vst v63  }
0xf: {  	s25 =	simm.s32 $0x3000;
	s26 =	simm.s32 $0x1;
	s24 =	sadd.s32 $0xE00, s7  }
0x10: {  	[tilespmem:s25], [sflag:$0x1] =	stream.linear.gather [hbm4b:s24+s10], $0x10, $0x38;
	[tilespmem:$0x3400] =	vst v63  }
0x11: {  	_ =	swait.ge [sflag:s26], $0x800  }
0x12: {  	[sflag:s26] =	ssyncset.done $0x0  }
0x13: {  	[sflag:s26] =	ssyncadd.s32 $0xFFFFF800  }
0x14: {  	_ =	swait.ge [sflag:s26], $0x800  }
0x15: {  	[sflag:s26] =	ssyncset.done $0x0  }
0x16: {  	[sflag:s26] =	ssyncadd.s32 $0xFFFFF800  }
0x17: {  	_ =	swait.ge [sflag:s26], $0x800  }
0x18: {  	[sflag:s26] =	ssyncset.done $0x0  }
0x19: {  	[sflag:s26] =	ssyncadd.s32 $0xFFFFF800  }
0x1a: {  	_ =	swait.ge [sflag:s26], $0x10  }
0x1b: {  	[sflag:s26] =	ssyncset.done $0x0  }
0x1c: {  	v1 =	vimm.f32 $0.0e+00;
	[sflag:s26] =	ssyncadd.s32 $0xFFFFFFF0  }
0x1d: {  	[tilespmem:$0x3080] =	vst v1  }
0x1e: {  	[tilespmem:$0x3090] =	vst v1  }
0x1f: {  	[tilespmem:$0x30A0] =	vst v1  }
0x20: {  	[tilespmem:$0x30B0] =	vst v1  }
0x21: {  	[tilespmem:$0x30C0] =	vst v1  }
0x22: {  	[tilespmem:$0x30D0] =	vst v1  }
0x23: {  	[tilespmem:$0x30E0] =	vst v1  }
0x24: {  	s28 =	simm.s32 $0x20;
	v0 =	vld [tilespmem:$0x3000];
	[tilespmem:$0x30F0] =	vst v1  }
0x25: {  	v1 =	vld [tilespmem:s28+$0x10];
	_ =	sdelay $0x3  }
0x26: {  	v2 =	vld [tilespmem:s28+$0xFFFFFFE0]  }
0x27: {  	v3 =	vld [tilespmem:s28+$0xFFFFFFF0];
	v1 =	vsub.f32 v1, v0;
	_ =	sdelay $0x1  }
0x28: {  	v1 =	vmul.f32 $1.442695020e+00, v1;
	_ =	sdelay $0x1  }
0x29: {  	v4 =	vld [tilespmem:s28+$0x0];
	v2 =	vsub.f32 v2, v0;
	(erf) = vpow2.f32 v1  }
0x2a: {  	s29 =	simm.s32 $0x1020;
	v1 =	vsub.f32 v3, v0  }
0x2b: {  	v2 =	vmul.f32 $1.442695020e+00, v2;
	v3 =	vld [tilespmem:s29+$0x10]  }
0x2c: {  	v1 =	vmul.f32 $1.442695020e+00, v1  }
0x2d: {  	s30 =	simm.s32 $0x60;
	v5 =	vld [tilespmem:s29+$0xFFFFFFE0];
	(erf) = vpow2.f32 v2  }
0x2e: {  	v7 =	vld [tilespmem:s30+$0x10];
	v4 =	vsub.f32 v4, v0;
	(erf) = vpow2.f32 v1  }
0x2f: {  	v2 =	vld [tilespmem:s29+$0xFFFFFFF0]  }
0x30: {  	v8 =	vld [tilespmem:s29+$0x0];
	v4 =	vmul.f32 $1.442695020e+00, v4;
	v1 =	vadd.s32 $0x60, v3  }
0x31: {  	v11 =	vld [tilespmem:s30+$0xFFFFFFE0]  }
0x32: {  	v12 =	vld [tilespmem:s30+$0xFFFFFFF0];
	v6 =	vpop (erf);
	(erf) = vpow2.f32 v4  }
0x33: {  	s31 =	simm.s32 $0x1820;
	s9 =	simm.s32 $0x1060;
	v13 =	vld [tilespmem:s30+$0x0]  }
0x34: {  	s6 =	simm.s32 $0x3080;
	v16 =	vld [tilespmem:s9+$0xFFFFFFF0];
	v7 =	vsub.f32 v7, v0;
	v4 =	vadd.s32 $0x20, v2;
	[tilespmem:s31+$0x10] =	vst v6  }
0x35: {  	s8 =	simm.s32 $0x820;
	[tilespmem:v1+s6+$0x0] =	vst.idx.add.f32.msk $0xffff, v6  }
0x36: {  	v7 =	vmul.f32 $1.442695020e+00, v7;
	v10 =	vpop (erf);
	v9 =	vld [tilespmem:s8+$0x10]  }
0x37: {  	v17 =	vld [tilespmem:s9+$0x0];
	[tilespmem:s31+$0xFFFFFFE0] =	vst v10;
	v1 =	vpop (erf)  }
0x38: {  	v11 =	vsub.f32 v11, v0;
	v15 =	vadd.s32 $0x70, v3;
	(erf) = vpow2.f32 v7;
	v7 =	vld [tilespmem:s9+$0x10];
	[tilespmem:s31+$0xFFFFFFF0] =	vst v1  }
0x39: {  	v12 =	vsub.f32 v12, v0;
	[tilespmem:v4+s6+$0x0] =	vst.idx.add.f32.msk $0xffff, v1;
	v4 =	vadd.s32 $0x40, v8  }
0x3a: {  	v13 =	vsub.f32 v13, v0;
	v11 =	vmul.f32 $1.442695020e+00, v11;
	[tilespmem:v5+s6+$0x0] =	vst.idx.add.f32.msk $0xffff, v10  }
0x3b: {  	v18 =	vadd.s32 $0x10, v5;
	v14 =	vld [tilespmem:s8+$0xFFFFFFE0];
	v5 =	vmul.f32 v9, v6;
	v6 =	vmul.f32 $1.442695020e+00, v12;
	v3 =	vpop (erf)  }
0x3c: {  	(erf) = vpow2.f32 v11;
	v9 =	vld [tilespmem:s9+$0xFFFFFFE0];
	v12 =	vmul.f32 $1.442695020e+00, v13;
	[tilespmem:s31+$0x0] =	vst v3  }
0x3d: {  	[tilespmem:v15+s6+$0x0] =	vst.idx.add.f32.msk $0xffff, v5;
	(erf) = vpow2.f32 v6  }
0x3e: {  	[tilespmem:v4+s6+$0x0] =	vst.idx.add.f32.msk $0xffff, v3;
	(erf) = vpow2.f32 v12  }
0x3f: {  	v12 =	vld [tilespmem:s8+$0xFFFFFFF0]  }
0x40: {  	v15 =	vadd.s32 $0x60, v7;
	v13 =	vld [tilespmem:s8+$0x0]  }
0x41: {  	v2 =	vadd.s32 $0x30, v2;
	v6 =	vmul.f32 v14, v10  }
0x42: {  	s11 =	simm.s32 $0x4;
	v11 =	vadd.s32 $0x40, v17;
	v10 =	vadd.s32 $0x20, v16;
	v5 =	vadd.s32 $0x30, v16  }
0x43: {  	s12 =	simm.s32 $0xA0;
	s7 =	sadd.s32 $0x1000, s7;
	s10 =	simm.s32 $0x1860;
	v14 =	vpop (erf);
	v4 =	vadd.s32 $0x50, v8;
	[tilespmem:v18+s6+$0x0] =	vst.idx.add.f32.msk $0xffff, v6;
	v6 =	vadd.s32 $0x50, v17;
	v8 =	vadd.s32 $0x10, v9  }
.LBB2_1:
0x44: {  	v16 =	vld [tilespmem:s12+$0x10];
	[tilespmem:s10+$0x10] =	vst v14;
	v17 =	vmul.f32 v12, v1  }
0x45: {  	s8 =	sadd.s32 $0x40, s8;
	[tilespmem:v15+s6+$0x0] =	vst.idx.add.f32.msk $0xffff, v14;
	v12 =	vpop (erf);
	v18 =	vmul.f32 v13, v3  }
0x46: {  	s11 =	sadd.s32 $0x4, s11;
	[tilespmem:s10+$0xFFFFFFE0] =	vst v12;
	v13 =	vld [tilespmem:s8+$0x10];
	v1 =	vpop (erf)  }
0x47: {  	p0 =	slt.u32 s11, $0x7C;
	v15 =	vld [tilespmem:s12+$0xFFFFFFE0];
	[tilespmem:s10+$0xFFFFFFF0] =	vst v1;
	v3 =	vpop (erf)  }
0x48: {  	v7 =	vadd.s32 $0x70, v7;
	v19 =	vld [tilespmem:s12+$0xFFFFFFF0];
	[tilespmem:s10+$0x0] =	vst v3  }
0x49: {  	v20 =	vld [tilespmem:s12+$0x0]  }
0x4a: {  	v16 =	vsub.f32 v16, v0;
	[tilespmem:v9+s6+$0x0] =	vst.idx.add.f32.msk $0xffff, v12  }
0x4b: {  	[tilespmem:v10+s6+$0x0] =	vst.idx.add.f32.msk $0xffff, v1;
	v9 =	vmul.f32 v13, v14  }
0x4c: {  	v13 =	vmul.f32 $1.442695020e+00, v16;
	v10 =	vsub.f32 v15, v0;
	[tilespmem:v11+s6+$0x0] =	vst.idx.add.f32.msk $0xffff, v3  }
0x4d: {  	v11 =	vsub.f32 v19, v0;
	[tilespmem:v7+s6+$0x0] =	vst.idx.add.f32.msk $0xffff, v9  }
0x4e: {  	s9 =	sadd.s32 $0x40, s9;
	v9 =	vmul.f32 $1.442695020e+00, v10;
	v10 =	vsub.f32 v20, v0;
	(erf) = vpow2.f32 v13;
	v13 =	vld [tilespmem:s8+$0xFFFFFFE0]  }
0x4f: {  	v11 =	vmul.f32 $1.442695020e+00, v11;
	v7 =	vld [tilespmem:s9+$0x10]  }
0x50: {  	v14 =	vld [tilespmem:s9+$0xFFFFFFF0];
	v10 =	vmul.f32 $1.442695020e+00, v10;
	(erf) = vpow2.f32 v9  }
0x51: {  	v16 =	vld [tilespmem:s9+$0x0];
	(erf) = vpow2.f32 v11  }
0x52: {  	v9 =	vld [tilespmem:s9+$0xFFFFFFE0];
	(erf) = vpow2.f32 v10  }
.Ltmp0:
0x53: {  	v11 =	vmul.f32 v13, v12;
	v12 =	vld [tilespmem:s8+$0xFFFFFFF0];
	(pc) =	sbr.rel @p0 .LBB2_1-.Ltmp0, $4  }
0x54: {  	v15 =	vadd.s32 $0x60, v7;
	v13 =	vld [tilespmem:s8+$0x0]  }
0x55: {  	v10 =	vadd.s32 $0x20, v14;
	v19 =	vadd.s32 $0x30, v14;
	[tilespmem:v8+s6+$0x0] =	vst.idx.add.f32.msk $0xffff, v11  }
0x56: {  	v11 =	vadd.s32 $0x40, v16;
	v16 =	vadd.s32 $0x50, v16;
	[tilespmem:v2+s6+$0x0] =	vst.idx.add.f32.msk $0xffff, v17;
	v2 =	vmovc v5;
	v5 =	vmov v19  }
0x57: {  	s10 =	sadd.s32 $0x40, s10;
	s12 =	sadd.s32 $0x40, s12;
	v8 =	vadd.s32 $0x10, v9;
	v14 =	vpop (erf);
	[tilespmem:v4+s6+$0x0] =	vst.idx.add.f32.msk $0xffff, v18;
	v4 =	vmov v6;
	v6 =	vmov v16  }
0x58: {  	_ =	sdelay $0x2  }
0x59: {  	[tilespmem:s10+$0x10] =	vst v14  }
0x5a: {  	[tilespmem:v15+s6+$0x0] =	vst.idx.add.f32.msk $0xffff, v14;
	v0 =	vpop (erf)  }
0x5b: {  	s8 =	sadd.s32 $0x40, s8;
	[tilespmem:s10+$0xFFFFFFE0] =	vst v0;
	v56 =	vpop (erf)  }
0x5c: {  	v16 =	vld [tilespmem:s8+$0x10];
	[tilespmem:s10+$0xFFFFFFF0] =	vst v56  }
0x5d: {  	v17 =	vpop (erf);
	[tilespmem:v9+s6+$0x0] =	vst.idx.add.f32.msk $0xffff, v0  }
0x5e: {  	[tilespmem:s10+$0x0] =	vst v17;
	v9 =	vld [tilespmem:s8+$0xFFFFFFE0]  }
0x5f: {  	[tilespmem:v10+s6+$0x0] =	vst.idx.add.f32.msk $0xffff, v56  }
0x60: {  	[tilespmem:v11+s6+$0x0] =	vst.idx.add.f32.msk $0xffff, v17  }
0x61: {  	v10 =	vld [tilespmem:s8+$0xFFFFFFF0]  }
0x62: {  	v7 =	vadd.s32 $0x70, v7;
	v1 =	vmul.f32 v12, v1;
	v58 =	vld [tilespmem:s8+$0x0]  }
0x63: {  	v3 =	vmul.f32 v13, v3  }
0x64: {  	[tilespmem:v2+s6+$0x0] =	vst.idx.add.f32.msk $0xffff, v1;
	v0 =	vmul.f32 v9, v0  }
0x65: {  	[tilespmem:v4+s6+$0x0] =	vst.idx.add.f32.msk $0xffff, v3;
	v57 =	vmul.f32 v16, v14  }
0x66: {  	[tilespmem:v8+s6+$0x0] =	vst.idx.add.f32.msk $0xffff, v0;
	v0 =	vmul.f32 v10, v56  }
0x67: {  	[tilespmem:v7+s6+$0x0] =	vst.idx.add.f32.msk $0xffff, v57;
	v1 =	vmul.f32 v58, v17  }
0x68: {  	[tilespmem:v5+s6+$0x0] =	vst.idx.add.f32.msk $0xffff, v0  }
0x69: {  	[tilespmem:v6+s6+$0x0] =	vst.idx.add.f32.msk $0xffff, v1  }
0x6a: {  	v0 =	vld [tilespmem:$0x3080]  }
0x6b: {  	v1 =	vld [tilespmem:$0x30A0]  }
0x6c: {  	v2 =	vld [tilespmem:$0x30C0]  }
0x6d: {  	v3 =	vld [tilespmem:$0x30E0]  }
0x6e: {  	v4 =	vld [tilespmem:$0x3090]  }
0x6f: {  	v5 =	vld [tilespmem:$0x30B0]  }
0x70: {  	v6 =	vld [tilespmem:$0x30D0]  }
0x71: {  	v7 =	vld [tilespmem:$0x30F0];
	_ =	sdelay $0x3  }
0x72: {  	v0 =	vadd.f32 v1, v0;
	v1 =	vadd.f32 v3, v2  }
0x73: {  	v2 =	vadd.f32 v5, v4;
	v3 =	vadd.f32 v7, v6  }
0x74: {  	v0 =	vadd.f32 v1, v0  }
0x75: {  	v1 =	vadd.f32 v3, v2  }
0x76: {  	s23 =	sshll.u32 s5, $0x2;
	s24 =	simm.s32 $0x0;
	[tilespmem:$0x3080] =	vst v0  }
0x77: {  	s9 =	simm.s32 $0x3080;
	s25 =	simm.s32 $0x2;
	s6 =	sadd.s32 s7, s23;
	[tilespmem:$0x3090] =	vst v1  }
0x78: {  	[hbm4b:s6+s24] =	stream.linear.scatter [tilespmem:s9], [sflag:$0x2], $0x20, $0x38;
	[tilespmem:$0x3400] =	vst v63  }
0x79: {  	_ =	swait.ge [sflag:s25], $0x20  }
0x7a: {  	[sflag:s25] =	ssyncset.done $0x0  }
0x7b: {  	[sflag:s25] =	ssyncadd.s32 $0xFFFFFFE0  }
0x7c: {  	s26 =	simm.s32 $0x3180;
	[bflag:$0x0] =	sbarrier.arrive $0xFFFF  }
0x7d: {  	[tilespmem:s26], [sflag:$0x2] =	stream.linear.gather [hbm4b:s7+s24], $0x200, $0x38;
	[tilespmem:$0x3400] =	vst v63  }
0x7e: {  	_ =	swait.ge [sflag:s25], $0x200  }
0x7f: {  	[sflag:s25] =	ssyncset.done $0x0  }
0x80: {  	[sflag:s25] =	ssyncadd.s32 $0xFFFFFE00  }
0x81: {  	v0 =	vld [tilespmem:$0x3180];
	_ =	sdelay $0x1  }
0x82: {  	v1 =	vld [tilespmem:$0x31A0];
	_ =	sdelay $0x1  }
0x83: {  	v2 =	vld [tilespmem:$0x31C0]  }
0x84: {  	v0 =	vadd.f32 $0.0e+00, v0  }
0x85: {  	v3 =	vld [tilespmem:$0x31E0]  }
0x86: {  	v0 =	vadd.f32 v1, v0  }
0x87: {  	v1 =	vld [tilespmem:$0x3200]  }
0x88: {  	v4 =	vld [tilespmem:$0x3190];
	v0 =	vadd.f32 v2, v0  }
0x89: {  	v2 =	vld [tilespmem:$0x3220]  }
0x8a: {  	v5 =	vld [tilespmem:$0x31B0];
	v0 =	vadd.f32 v3, v0  }
0x8b: {  	v3 =	vld [tilespmem:$0x3240]  }
0x8c: {  	v6 =	vld [tilespmem:$0x31D0];
	v0 =	vadd.f32 v1, v0  }
0x8d: {  	p0 =	sne.s32 s5, $0x0;
	v1 =	vld [tilespmem:$0x3260]  }
0x8e: {  	v7 =	vld [tilespmem:$0x31F0];
	v0 =	vadd.f32 v2, v0;
	v2 =	vadd.f32 @!p0 $0.0e+00, v4  }
0x8f: {  	v4 =	vld [tilespmem:$0x3280]  }
0x90: {  	v8 =	vld [tilespmem:$0x3210];
	v0 =	vadd.f32 v3, v0;
	v2 =	vadd.f32 @!p0 v5, v2  }
0x91: {  	v3 =	vld [tilespmem:$0x32A0]  }
0x92: {  	v5 =	vld [tilespmem:$0x3230];
	v0 =	vadd.f32 v1, v0;
	v1 =	vadd.f32 @!p0 v6, v2  }
0x93: {  	v2 =	vld [tilespmem:$0x32C0]  }
0x94: {  	v6 =	vld [tilespmem:$0x3250];
	v0 =	vadd.f32 v4, v0;
	v1 =	vadd.f32 @!p0 v7, v1  }
0x95: {  	v4 =	vld [tilespmem:$0x32E0]  }
0x96: {  	v7 =	vld [tilespmem:$0x3270];
	v0 =	vadd.f32 v3, v0;
	v1 =	vadd.f32 @!p0 v8, v1  }
0x97: {  	v3 =	vld [tilespmem:$0x3300]  }
0x98: {  	v8 =	vld [tilespmem:$0x3290];
	v0 =	vadd.f32 v2, v0;
	v1 =	vadd.f32 @!p0 v5, v1  }
0x99: {  	v2 =	vld [tilespmem:$0x3320]  }
0x9a: {  	v5 =	vld [tilespmem:$0x32B0];
	v0 =	vadd.f32 v4, v0;
	v1 =	vadd.f32 @!p0 v6, v1  }
0x9b: {  	v4 =	vld [tilespmem:$0x3340]  }
0x9c: {  	v6 =	vld [tilespmem:$0x32D0];
	v0 =	vadd.f32 v3, v0;
	v1 =	vadd.f32 @!p0 v7, v1  }
0x9d: {  	v3 =	vld [tilespmem:$0x3360]  }
0x9e: {  	v0 =	vadd.f32 v2, v0;
	v1 =	vadd.f32 @!p0 v8, v1  }
0x9f: {  	v2 =	vld [tilespmem:$0x32F0]  }
0xa0: {  	v0 =	vadd.f32 v4, v0;
	v1 =	vadd.f32 @!p0 v5, v1  }
0xa1: {  	v4 =	vld [tilespmem:$0x3310]  }
0xa2: {  	v0 =	vadd.f32 v3, v0;
	v1 =	vadd.f32 @!p0 v6, v1  }
0xa3: {  	v3 =	vld [tilespmem:$0x3330]  }
0xa4: {  	(erf) = vrcp.f32 v0;
	v1 =	vadd.f32 @!p0 v2, v1  }
0xa5: {  	v2 =	vld [tilespmem:$0x3350]  }
0xa6: {  	v1 =	vadd.f32 @!p0 v4, v1  }
0xa7: {  	v4 =	vld [tilespmem:$0x3370]  }
0xa8: {  	v1 =	vadd.f32 @!p0 v3, v1;
	_ =	sdelay $0x1  }
0xa9: {  	v1 =	vadd.f32 @!p0 v2, v1;
	_ =	sdelay $0x1  }
0xaa: {  	v1 =	vadd.f32 @!p0 v4, v1  }
0xab: {  	v2 =	vpop (erf)  }
0xac: {  	v1 =	vmul.f32 @!p0 v2, v1  }
0xad: {  	vm0 =	vgt.f32 @!p0 v0, $0.0e+00  }
0xae: {  	[tilespmem:$0x3100] =	vst v2;
	v0 =	vnsel @!p0 vm0, $0x0, v1  }
0xaf: {  	s5 =	simm.s32 @!p0 $0x0;
	s6 =	simm.s32 @!p0 $0x3380;
	[tilespmem:$0x3380] =	vst @!p0 v0  }
0xb0: {  	[hbm4b:s4+s5] =	stream.linear.scatter @!p0 [tilespmem:s6], [sflag:$0x2], $0x80, $0x38;
	[tilespmem:$0x3400] =	vst v63  }
0xb1: {  	s4 =	simm.s32 @!p0 $0x2  }
0xb2: {  	_ =	swait.ge @!p0 [sflag:s4], $0x80  }
0xb3: {  	[sflag:s4] =	ssyncset.done @!p0 $0x0  }
0xb4: {  	s28 =	simm.s32 $0x1020;
	[sflag:s4] =	ssyncadd.s32 @!p0 $0xFFFFFF80  }
0xb5: {  	v0 =	vld [tilespmem:s28+$0x10];
	_ =	sdelay $0x1  }
0xb6: {  	v1 =	vld [tilespmem:s28+$0xFFFFFFF0]  }
0xb7: {  	v3 =	vld [tilespmem:s28+$0xFFFFFFE0]  }
0xb8: {  	s29 =	simm.s32 $0x1820;
	v2 =	vld [tilespmem:s28+$0x0]  }
0xb9: {  	v4 =	vld [tilespmem:s29+$0x10]  }
0xba: {  	v5 =	vld [tilespmem:s29+$0xFFFFFFE0]  }
0xbb: {  	s4 =	simm.s32 $0x3100;
	v6 =	vld [tilespmem:s29+$0xFFFFFFF0]  }
0xbc: {  	s31 =	simm.s32 $0x1060;
	v0 =	vld.idx.msk [tilespmem:v0+s4+$0x0], $0xffff  }
0xbd: {  	v7 =	vld [tilespmem:s31+$0x10]  }
0xbe: {  	v1 =	vld.idx.msk [tilespmem:v1+s4+$0x0], $0xffff  }
0xbf: {  	v3 =	vld.idx.msk [tilespmem:v3+s4+$0x0], $0xffff  }
0xc0: {  	v2 =	vld.idx.msk [tilespmem:v2+s4+$0x0], $0xffff  }
0xc1: {  	v0 =	vmul.f32 v4, v0;
	v4 =	vld [tilespmem:s29+$0x0]  }
0xc2: {  	v59 =	vld [tilespmem:s31+$0xFFFFFFF0]  }
0xc3: {  	v60 =	vld [tilespmem:s31+$0xFFFFFFE0]  }
0xc4: {  	s30 =	simm.s32 $0x2020;
	s8 =	simm.s32 $0x1860;
	v3 =	vmul.f32 v5, v3;
	v5 =	vld [tilespmem:s31+$0x0]  }
0xc5: {  	s5 =	simm.s32 $0x820;
	v63 =	vld [tilespmem:s8+$0x10];
	v6 =	vmul.f32 v6, v1;
	[tilespmem:s30+$0x10] =	vst v0  }
0xc6: {  	[tilespmem:s30+$0xFFFFFFE0] =	vst v3;
	v8 =	vld [tilespmem:s5+$0x10];
	v2 =	vmul.f32 v4, v2  }
0xc7: {  	[tilespmem:s30+$0xFFFFFFF0] =	vst v6;
	v4 =	vld [tilespmem:s5+$0xFFFFFFE0]  }
0xc8: {  	v61 =	vld [tilespmem:s5+$0xFFFFFFF0];
	[tilespmem:s30+$0x0] =	vst v2  }
0xc9: {  	v62 =	vld [tilespmem:s5+$0x0]  }
0xca: {  	v7 =	vld.idx.msk [tilespmem:v7+s4+$0x0], $0xffff  }
0xcb: {  	v1 =	vld.idx.msk [tilespmem:v59+s4+$0x0], $0xffff;
	v8 =	vmul.f32 v8, v0  }
0xcc: {  	s7 =	simm.s32 $0x2820;
	v0 =	vld.idx.msk [tilespmem:v5+s4+$0x0], $0xffff;
	v4 =	vmul.f32 v4, v3  }
0xcd: {  	v5 =	vmul.f32 v61, v6;
	[tilespmem:s7+$0x10] =	vst v8;
	v3 =	vld.idx.msk [tilespmem:v60+s4+$0x0], $0xffff  }
0xce: {  	[tilespmem:s7+$0xFFFFFFE0] =	vst v4;
	v4 =	vld [tilespmem:s8+$0xFFFFFFE0];
	v6 =	vmul.f32 v62, v2  }
0xcf: {  	s9 =	simm.s32 $0x10A0;
	s6 =	sadd.s32 s1, s3;
	[tilespmem:s7+$0xFFFFFFF0] =	vst v5;
	v5 =	vld [tilespmem:s8+$0xFFFFFFF0];
	v2 =	vmul.f32 v63, v7  }
0xd0: {  	s1 =	sadd.s32 s2, s3;
	s3 =	simm.s32 $0x4;
	s2 =	simm.s32 $0x2060;
	[tilespmem:s7+$0x0] =	vst v6;
	v6 =	vld [tilespmem:s8+$0x0]  }
.LBB2_3:
0xd1: {  	v7 =	vld [tilespmem:s9+$0x10];
	s3 =	sadd.s32 $0x4, s3;
	[tilespmem:s2+$0x10] =	vst v2;
	s5 =	sadd.s32 $0x40, s5  }
0xd2: {  	p1 =	slt.u32 s3, $0x7C;
	v8 =	vld [tilespmem:s5+$0x10]  }
0xd3: {  	v9 =	vld [tilespmem:s9+$0xFFFFFFF0];
	v3 =	vmul.f32 v4, v3  }
0xd4: {  	v4 =	vld [tilespmem:s9+$0x0];
	v5 =	vmul.f32 v5, v1  }
0xd5: {  	v10 =	vld [tilespmem:s9+$0xFFFFFFE0];
	[tilespmem:s2+$0xFFFFFFE0] =	vst v3;
	v6 =	vmul.f32 v6, v0  }
0xd6: {  	v0 =	vld [tilespmem:s5+$0xFFFFFFE0];
	[tilespmem:s2+$0xFFFFFFF0] =	vst v5  }
0xd7: {  	v11 =	vld [tilespmem:s5+$0xFFFFFFF0];
	[tilespmem:s2+$0x0] =	vst v6;
	v1 =	vmul.f32 v8, v2  }
0xd8: {  	s7 =	sadd.s32 $0x40, s7;
	v2 =	vld [tilespmem:s5+$0x0]  }
0xd9: {  	s8 =	sadd.s32 $0x40, s8;
	v7 =	vld.idx.msk [tilespmem:v7+s4+$0x0], $0xffff;
	[tilespmem:s7+$0x10] =	vst v1  }
0xda: {  	v8 =	vld [tilespmem:s8+$0x10]  }
0xdb: {  	v1 =	vld.idx.msk [tilespmem:v9+s4+$0x0], $0xffff;
	v9 =	vmul.f32 v0, v3  }
.Ltmp1:
0xdc: {  	v0 =	vld.idx.msk [tilespmem:v4+s4+$0x0], $0xffff;
	v5 =	vmul.f32 v11, v5;
	(pc) =	sbr.rel @p1 .LBB2_3-.Ltmp1, $4  }
0xdd: {  	v3 =	vld.idx.msk [tilespmem:v10+s4+$0x0], $0xffff;
	[tilespmem:s7+$0xFFFFFFE0] =	vst v9;
	v6 =	vmul.f32 v2, v6  }
0xde: {  	v4 =	vld [tilespmem:s8+$0xFFFFFFE0];
	[tilespmem:s7+$0xFFFFFFF0] =	vst v5  }
0xdf: {  	v5 =	vld [tilespmem:s8+$0xFFFFFFF0];
	v2 =	vmul.f32 v8, v7;
	[tilespmem:s7+$0x0] =	vst v6  }
0xe0: {  	s9 =	sadd.s32 $0x40, s9;
	s2 =	sadd.s32 $0x40, s2;
	v6 =	vld [tilespmem:s8+$0x0]  }
0xe1: {  	_ =	sdelay $0x1  }
0xe2: {  	v3 =	vmul.f32 v4, v3  }
0xe3: {  	[tilespmem:s2+$0x10] =	vst v2;
	s3 =	sadd.s32 $0x40, s5;
	v1 =	vmul.f32 v5, v1  }
0xe4: {  	v60 =	vld [tilespmem:s3+$0x10];
	[tilespmem:s2+$0xFFFFFFE0] =	vst v3;
	v0 =	vmul.f32 v6, v0  }
0xe5: {  	v61 =	vld [tilespmem:s3+$0xFFFFFFE0];
	[tilespmem:s2+$0xFFFFFFF0] =	vst v1  }
0xe6: {  	v62 =	vld [tilespmem:s3+$0xFFFFFFF0];
	[tilespmem:s2+$0x0] =	vst v0  }
0xe7: {  	v7 =	vld [tilespmem:s3+$0x0];
	_ =	sdelay $0x1  }
0xe8: {  	v63 =	vmul.f32 v60, v2  }
0xe9: {  	s28 =	sadd.s32 $0x40, s7;
	v3 =	vmul.f32 v61, v3  }
0xea: {  	[tilespmem:s28+$0x10] =	vst v63;
	v1 =	vmul.f32 v62, v1  }
0xeb: {  	[tilespmem:s28+$0xFFFFFFE0] =	vst v3;
	v0 =	vmul.f32 v7, v0  }
0xec: {  	[tilespmem:s28+$0xFFFFFFF0] =	vst v1  }
0xed: {  	s29 =	simm.s32 $0x0;
	s30 =	simm.s32 $0x2000;
	s31 =	simm.s32 $0x2;
	[tilespmem:s28+$0x0] =	vst v0  }
0xee: {  	[hbm4b:s6+s29] =	stream.linear.scatter [tilespmem:s30], [sflag:$0x2], $0x800, $0x38;
	[tilespmem:$0x3400] =	vst v63  }
0xef: {  	_ =	swait.ge [sflag:s31], $0x800  }
0xf0: {  	[sflag:s31] =	ssyncset.done $0x0  }
0xf1: {  	s4 =	simm.s32 $0x2800;
	[sflag:s31] =	ssyncadd.s32 $0xFFFFF800  }
0xf2: {  	[hbm4b:s1+s29] =	stream.linear.scatter [tilespmem:s4], [sflag:$0x2], $0x800, $0x38;
	[tilespmem:$0x3400] =	vst v63  }
0xf3: {  	_ =	swait.ge [sflag:s31], $0x800  }
0xf4: {  	[sflag:s31] =	ssyncset.done $0x0  }
0xf5: {  	[sflag:s31] =	ssyncadd.s32 $0xFFFFF800  }
0xf6: {  	_ =	sfence.sel $0x180000  }
0xf7: {  	[bflag:$0x0] =	sbarrier.arrive $0xFFFF  }
0xf8: {  	_ =	strace $0x90000047  }
0xf9: {  	s0 =	sadd.s32 @!p0 $0x100000, s0;
	[bflag:$0x2] =	sbarrier.arrive $0xFFFF  }
0xfa: {  	[sflag:s0] =	ssyncadd.tile.s32 @!p0 $0x1;
	_ =	shalt  }
.Lfunc_end2:
_tile_overlayer_lowered:
.L_overlay_start_2:
0xfb: {  	(tag) =	ssettag $0x2  }
0xfc: {  	s0 =	rddreg [dreg:$0x0];
	s2 =	stileid.u32  }
0xfd: {  	s1 =	rddreg [dreg:$0x1];
	p0 =	sne.s32 s2, $0x0  }
0xfe: {  	s3 =	rddreg [dreg:$0x2];
	[bflag:$0x3] =	sbarrier.arrive $0xFFFF;
	s2 =	simm.s32 @!p0 $0x1C02  }
0xff: {  	[timem:s3], [sflag:s2] =	dma.local @!p0 [hbm:s0], s1  }
0x100: {  	s0 =	simm.s32 @!p0 $0x2  }
0x101: {  	_ =	swait.ge @!p0 [sflag:s0], s1  }
0x102: {  	s1 =	ssub.s32 @!p0 $0x0, s1;
	[sflag:s0] =	ssyncset.done @!p0 $0x0  }
0x103: {  	[sflag:s0] =	ssyncadd.s32 @!p0 s1  }
0x104: {  	[bflag:$0x3] =	sbarrier.arrive $0xFFFF  }
0x105: {  	_ =	shalt  }

</sc_bundles>
